<compile_context>
chip_gen: v7x
topology: tpu7x:2x2x1
jax: 0.10.2.dev20260603
libtpu: 0.0.44.dev20260713+nightly
codegen_flags: <defaults>
</compile_context>

<pallas_src>
import functools

import jax
import jax.numpy as jnp
from jax import lax
from jax.experimental import pallas as pl
from jax.experimental.pallas import tpu as pltpu
from jax.experimental.pallas import tpu_sc as plsc

N = 10000
E = 320000
F_IN = 128
HID = 128
CLS = 32
K = 20
ALPHA = 0.1

HALF = 16
NC, NS, L = 2, 16, 16
RPT = 632
NROW = NS * RPT
CHUNK = 128
NCH_PT = 158
PAIRS = NCH_PT // 2
EPAD = NS * NCH_PT * CHUNK

_mesh = plsc.VectorSubcoreMesh(
    core_axis_name="c", subcore_axis_name="s", num_cores=NC, num_subcores=NS
)


def _rsqrt16(d):
    i = lax.bitcast_convert_type(d, jnp.int32)
    y = lax.bitcast_convert_type(jnp.int32(0x5F3759DF) - (i >> 1), jnp.float32)
    for _ in range(3):
        y = y * (1.5 - 0.5 * d * y * y)
    return y


def _row_loop(body, n=RPT, unroll=4):
    def outer(k, _):
        for u in range(unroll):
            body(k * unroll + u)
        return 0

    assert n % unroll == 0
    lax.fori_loop(0, n // unroll, outer, 0)


def _sc_propagate(h0_hbm, src_hbm, dst_hbm, out_hbm,
                  shs, sagg, idx_s, idx_d, hbuf, dinv, h0a, tmp,
                  rows_a, rows_b, sem_ga, sem_gb, sem_sa, sem_sb):
    c = lax.axis_index("c")
    s = lax.axis_index("s")
    r0 = s * RPT

    pltpu.sync_copy(h0_hbm.at[c, pl.ds(r0, RPT)], hbuf)
    pltpu.sync_copy(src_hbm.at[s], idx_s)
    pltpu.sync_copy(dst_hbm.at[s], idx_d)

    def _init_h0a(i):
        h0a[i, :] = hbuf[i, :] * ALPHA

    _row_loop(_init_h0a)

    def _zero_tmp(i):
        tmp[i, :] = jnp.zeros((L,), jnp.float32)

    _row_loop(_zero_tmp)

    def _ones_rows(i):
        rows_a[i, :] = jnp.ones((L,), jnp.float32)

    _row_loop(_ones_rows, CHUNK)

    pltpu.sync_copy(tmp, sagg.at[pl.ds(r0, RPT)])
    pltpu.sync_copy(tmp, shs.at[pl.ds(r0, RPT)])
    plsc.subcore_barrier()

    def _deg_chunk(j, _):
        pltpu.async_copy(rows_a, sagg.at[idx_d.at[j]], sem_sa, add=True)
        return 0

    lax.fori_loop(0, NCH_PT, _deg_chunk, 0)

    def _deg_drain(j, _):
        pltpu.make_async_copy(rows_a, sagg.at[idx_d.at[0]], sem_sa).wait()
        return 0

    lax.fori_loop(0, NCH_PT, _deg_drain, 0)
    plsc.subcore_barrier()

    pltpu.sync_copy(sagg.at[pl.ds(r0, RPT)], tmp)

    def _dinv(i):
        dinv[i, :] = _rsqrt16(tmp[i, :] + 1.0)

    _row_loop(_dinv)

    def _hs0(i):
        tmp[i, :] = dinv[i, :] * hbuf[i, :]

    _row_loop(_hs0)

    def _gather(j, buf, sem):
        return pltpu.async_copy(shs.at[idx_s.at[j]], buf, sem)

    def _scatter(j, buf, sem):
        return pltpu.async_copy(buf, sagg.at[idx_d.at[j]], sem, add=True)

    def _iter(_, carry):
        c1 = pltpu.async_copy(tmp, shs.at[pl.ds(r0, RPT)], sem_ga)
        c2 = pltpu.async_copy(tmp, sagg.at[pl.ds(r0, RPT)], sem_sa)
        c1.wait()
        c2.wait()
        plsc.subcore_barrier()

        def _wait_g(j, buf, sem):
            pltpu.make_async_copy(shs.at[idx_s.at[j]], buf, sem).wait()

        def _wait_s(j, buf, sem):
            pltpu.make_async_copy(buf, sagg.at[idx_d.at[j]], sem).wait()

        _gather(0, rows_a, sem_ga)
        _wait_g(0, rows_a, sem_ga)
        _scatter(0, rows_a, sem_sa)
        _gather(1, rows_b, sem_gb)

        def _pair(p, _):
            j = 2 * p + 1
            _wait_g(j, rows_b, sem_gb)
            _scatter(j, rows_b, sem_sb)
            _wait_s(j - 1, rows_a, sem_sa)
            _gather(j + 1, rows_a, sem_ga)
            _wait_g(j + 1, rows_a, sem_ga)
            _scatter(j + 1, rows_a, sem_sa)
            _wait_s(j, rows_b, sem_sb)
            _gather(jnp.minimum(j + 2, NCH_PT - 1), rows_b, sem_gb)
            return 0

        lax.fori_loop(0, PAIRS - 1, _pair, 0)
        _wait_g(NCH_PT - 1, rows_b, sem_gb)
        _scatter(NCH_PT - 1, rows_b, sem_sb)
        _wait_s(NCH_PT - 2, rows_a, sem_sa)
        _wait_s(NCH_PT - 1, rows_b, sem_sb)
        plsc.subcore_barrier()

        pltpu.sync_copy(sagg.at[pl.ds(r0, RPT)], tmp)

        def _update(i):
            h = (1.0 - ALPHA) * dinv[i, :] * tmp[i, :] + h0a[i, :]
            hbuf[i, :] = h
            tmp[i, :] = dinv[i, :] * h

        _row_loop(_update)
        return carry

    lax.fori_loop(0, K, _iter, 0)

    pltpu.sync_copy(hbuf, out_hbm.at[c, pl.ds(r0, RPT)])


_sc_prop_call = functools.partial(
    pl.kernel,
    out_type=jax.ShapeDtypeStruct((NC, NROW, HALF), jnp.float32),
    mesh=_mesh,
    compiler_params=pltpu.CompilerParams(use_tc_tiling_on_sc=False),
    scratch_types=[
        pltpu.VMEM_SHARED((NROW, HALF), jnp.float32),
        pltpu.VMEM_SHARED((NROW, HALF), jnp.float32),
        pltpu.VMEM((NCH_PT, CHUNK), jnp.int32),
        pltpu.VMEM((NCH_PT, CHUNK), jnp.int32),
        pltpu.VMEM((RPT, HALF), jnp.float32),
        pltpu.VMEM((RPT, HALF), jnp.float32),
        pltpu.VMEM((RPT, HALF), jnp.float32),
        pltpu.VMEM((RPT, HALF), jnp.float32),
        pltpu.VMEM((CHUNK, HALF), jnp.float32),
        pltpu.VMEM((CHUNK, HALF), jnp.float32),
    ] + [pltpu.SemaphoreType.DMA] * 4,
)(_sc_propagate)


def _mlp_body(x_ref, w1_ref, b1_ref, w2_ref, b2_ref, out_ref):
    h = jnp.dot(x_ref[...], w1_ref[...], preferred_element_type=jnp.float32)
    h = jnp.maximum(h + b1_ref[...], 0.0)
    out_ref[...] = (
        jnp.dot(h, w2_ref[...], preferred_element_type=jnp.float32)
        + b2_ref[...]
    )


def _softmax_body(h_ref, out_ref):
    h = h_ref[...]
    m = jnp.max(h, axis=1, keepdims=True)
    e = jnp.exp(h - m)
    out_ref[...] = h - m - jnp.log(jnp.sum(e, axis=1, keepdims=True))


_BLK = 1000
_GRID = N // _BLK


def kernel(x, edge_index, W1, b1, W2, b2):
    pad = jnp.full((EPAD - E,), N, jnp.int32)
    src = jnp.concatenate([edge_index[0].astype(jnp.int32), pad])
    dst = jnp.concatenate([edge_index[1].astype(jnp.int32), pad])
    src = src.reshape(NS, NCH_PT, CHUNK)
    dst = dst.reshape(NS, NCH_PT, CHUNK)

    h0 = pl.pallas_call(
        _mlp_body,
        grid=(_GRID,),
        in_specs=[
            pl.BlockSpec((_BLK, F_IN), lambda i: (i, 0)),
            pl.BlockSpec((F_IN, HID), lambda i: (0, 0)),
            pl.BlockSpec((1, HID), lambda i: (0, 0)),
            pl.BlockSpec((HID, CLS), lambda i: (0, 0)),
            pl.BlockSpec((1, CLS), lambda i: (0, 0)),
        ],
        out_specs=pl.BlockSpec((_BLK, CLS), lambda i: (i, 0)),
        out_shape=jax.ShapeDtypeStruct((N, CLS), jnp.float32),
    )(x, W1, b1.reshape(1, HID), W2, b2.reshape(1, CLS))

    h0_split = jnp.stack([h0[:, :HALF], h0[:, HALF:]])
    h0_split = jnp.pad(h0_split, ((0, 0), (0, NROW - N), (0, 0)))
    hf = _sc_prop_call(h0_split, src, dst)
    h_final = jnp.concatenate([hf[0, :N], hf[1, :N]], axis=1)

    return pl.pallas_call(
        _softmax_body,
        grid=(_GRID,),
        in_specs=[pl.BlockSpec((_BLK, CLS), lambda i: (i, 0))],
        out_specs=pl.BlockSpec((_BLK, CLS), lambda i: (i, 0)),
        out_shape=jax.ShapeDtypeStruct((N, CLS), jnp.float32),
    )(h_final)

# --- scband reference (transcript-rebuilt; emitter-appended) ---
"""Pipeline reference for scband-appnp-net-20547123544189 (READ-ONLY COPY).

The authoritative reference and input builder live on the scoring server;
editing this copy changes nothing except your own understanding.
"""

import jax, jax.numpy as jnp
import numpy as np

N = 10000
E = 320000
F_IN = 128
HID = 128
CLS = 32
K = 20
ALPHA = 0.1


def setup_inputs(seed: int = 0) -> dict:
    key = jax.random.key(seed)
    k1, k2, k3, k4 = jax.random.split(key, 4)
    x = jax.random.normal(k1, (N, F_IN), dtype=jnp.float32)
    edge_index = jax.random.randint(k2, (2, E), 0, N)
    W1 = jax.random.normal(k3, (F_IN, HID), dtype=jnp.float32) * 0.05
    b1 = jnp.zeros((HID,), dtype=jnp.float32)
    W2 = jax.random.normal(k4, (HID, CLS), dtype=jnp.float32) * 0.05
    b2 = jnp.zeros((CLS,), dtype=jnp.float32)
    return {"x": x, "edge_index": edge_index, "W1": W1, "b1": b1, "W2": W2, "b2": b2}


def reference(x, edge_index, W1, b1, W2, b2):
    # eval mode: dropout is identity
    h = jax.nn.relu(x @ W1 + b1)
    h = h @ W2 + b2
    # APPNP propagation with self-loops and GCN symmetric normalization
    src = edge_index[0]
    dst = edge_index[1]
    loops = jnp.arange(N, dtype=src.dtype)
    src = jnp.concatenate([src, loops])
    dst = jnp.concatenate([dst, loops])
    ones = jnp.ones(src.shape[0], dtype=h.dtype)
    deg = jax.ops.segment_sum(ones, dst, num_segments=N)
    dinv = jnp.where(deg > 0, deg ** -0.5, 0.0)
    norm = dinv[src] * dinv[dst]
    x0 = h
    for _ in range(K):
        msg = norm[:, None] * h[src]
        agg = jax.ops.segment_sum(msg, dst, num_segments=N)
        h = (1.0 - ALPHA) * agg + ALPHA * x0
    return jax.nn.log_softmax(h, axis=1)

if __name__ == "__main__":
    import jax
    _d = setup_inputs()
    print(jax.jit(kernel)(*tuple(_d.values())))

</pallas_src>

<mosaic_0001>
#map = affine_map<(d0, d1) -> (0, 0, 0)>
module attributes {stable_mosaic.version = 14 : i64} {
  func.func @_sc_propagate(%arg0: i32, %arg1: i32, %arg2: memref<2x10112x16xf32, #tpu.memory_space<hbm>>, %arg3: memref<16x158x128xi32, #tpu.memory_space<hbm>>, %arg4: memref<16x158x128xi32, #tpu.memory_space<hbm>>, %arg5: memref<2x10112x16xf32, #tpu.memory_space<hbm>>, %arg6: memref<10112x16xf32, #tpu.memory_space<vmem_shared>>, %arg7: memref<10112x16xf32, #tpu.memory_space<vmem_shared>>, %arg8: memref<158x128xi32, #tpu.memory_space<vmem>>, %arg9: memref<158x128xi32, #tpu.memory_space<vmem>>, %arg10: memref<632x16xf32, #tpu.memory_space<vmem>>, %arg11: memref<632x16xf32, #tpu.memory_space<vmem>>, %arg12: memref<632x16xf32, #tpu.memory_space<vmem>>, %arg13: memref<632x16xf32, #tpu.memory_space<vmem>>, %arg14: memref<128x16xf32, #tpu.memory_space<vmem>>, %arg15: memref<128x16xf32, #tpu.memory_space<vmem>>, %arg16: memref<!tpu.dma_semaphore, #tpu.memory_space<semaphore_mem>>, %arg17: memref<!tpu.dma_semaphore, #tpu.memory_space<semaphore_mem>>, %arg18: memref<!tpu.dma_semaphore, #tpu.memory_space<semaphore_mem>>, %arg19: memref<!tpu.dma_semaphore, #tpu.memory_space<semaphore_mem>>) attributes {dimension_semantics = [#tpu.dimension_semantics<core_parallel>, #tpu.dimension_semantics<subcore_parallel>], iteration_bounds = array<i64: 2, 16>, scalar_prefetch = 0 : i64, scratch_operands = 14 : i64, tpu.core_type = #tpu.core_type<sc_vector_subcore>, window_params = [{transform_indices = #map}, {transform_indices = #map}, {transform_indices = #map}, {transform_indices = #map}]} {
    %mul3A = arith.constant 632 : i32
    %mul3A_0 = arith.muli %arg1, %mul3A : i32
    "tpu.region"() ({
      %run_scoped3A = tpu.sem_alloc : memref<!tpu.dma_semaphore, #tpu.memory_space<semaphore_mem>>
      %dma_start3A = arith.constant 0 : i32
      %dma_start3A_56 = tpu.memref_slice %arg2[%arg0, %mul3A_0, %dma_start3A] : memref<2x10112x16xf32, #tpu.memory_space<hbm>> -> memref<1x632x16xf32, #tpu.memory_space<hbm>>
      %dma_start3A_57 = tpu.memref_squeeze %dma_start3A_56 : memref<1x632x16xf32, #tpu.memory_space<hbm>> -> memref<632x16xf32, #tpu.memory_space<hbm>>
      %dma_start3A_58 = arith.constant 0 : i32
      %dma_start3A_59 = tpu.memref_slice %arg2[%arg0, %mul3A_0, %dma_start3A_58] : memref<2x10112x16xf32, #tpu.memory_space<hbm>> -> memref<1x632x16xf32, #tpu.memory_space<hbm>>
      %dma_start3A_60 = tpu.memref_squeeze %dma_start3A_59 : memref<1x632x16xf32, #tpu.memory_space<hbm>> -> memref<632x16xf32, #tpu.memory_space<hbm>>
      tpu.enqueue_dma source(%dma_start3A_60 : memref<632x16xf32, #tpu.memory_space<hbm>>) target(%arg10 : memref<632x16xf32, #tpu.memory_space<vmem>>) target_semaphore(%run_scoped3A : memref<!tpu.dma_semaphore, #tpu.memory_space<semaphore_mem>>)
      %dma_wait3A = arith.constant 0 : i32
      %dma_wait3A_61 = tpu.memref_slice %arg2[%arg0, %mul3A_0, %dma_wait3A] : memref<2x10112x16xf32, #tpu.memory_space<hbm>> -> memref<1x632x16xf32, #tpu.memory_space<hbm>>
      %dma_wait3A_62 = tpu.memref_squeeze %dma_wait3A_61 : memref<1x632x16xf32, #tpu.memory_space<hbm>> -> memref<632x16xf32, #tpu.memory_space<hbm>>
      %dma_wait3A_63 = arith.constant 0 : i32
      %dma_wait3A_64 = tpu.memref_slice %arg2[%arg0, %mul3A_0, %dma_wait3A_63] : memref<2x10112x16xf32, #tpu.memory_space<hbm>> -> memref<1x632x16xf32, #tpu.memory_space<hbm>>
      %dma_wait3A_65 = tpu.memref_squeeze %dma_wait3A_64 : memref<1x632x16xf32, #tpu.memory_space<hbm>> -> memref<632x16xf32, #tpu.memory_space<hbm>>
      tpu.wait_dma2 semaphore(%run_scoped3A : memref<!tpu.dma_semaphore, #tpu.memory_space<semaphore_mem>>) src(%dma_wait3A_65 : memref<632x16xf32, #tpu.memory_space<hbm>>) dst(%arg10 : memref<632x16xf32, #tpu.memory_space<vmem>>)
      tpu.yield
    }) : () -> ()
    "tpu.region"() ({
      %run_scoped3A = tpu.sem_alloc : memref<!tpu.dma_semaphore, #tpu.memory_space<semaphore_mem>>
      %dma_start3A = arith.constant 0 : i32
      %dma_start3A_56 = arith.constant 0 : i32
      %dma_start3A_57 = tpu.memref_slice %arg3[%arg1, %dma_start3A, %dma_start3A_56] : memref<16x158x128xi32, #tpu.memory_space<hbm>> -> memref<1x158x128xi32, #tpu.memory_space<hbm>>
      %dma_start3A_58 = tpu.memref_squeeze %dma_start3A_57 : memref<1x158x128xi32, #tpu.memory_space<hbm>> -> memref<158x128xi32, #tpu.memory_space<hbm>>
      %dma_start3A_59 = arith.constant 0 : i32
      %dma_start3A_60 = arith.constant 0 : i32
      %dma_start3A_61 = tpu.memref_slice %arg3[%arg1, %dma_start3A_59, %dma_start3A_60] : memref<16x158x128xi32, #tpu.memory_space<hbm>> -> memref<1x158x128xi32, #tpu.memory_space<hbm>>
      %dma_start3A_62 = tpu.memref_squeeze %dma_start3A_61 : memref<1x158x128xi32, #tpu.memory_space<hbm>> -> memref<158x128xi32, #tpu.memory_space<hbm>>
      tpu.enqueue_dma source(%dma_start3A_62 : memref<158x128xi32, #tpu.memory_space<hbm>>) target(%arg8 : memref<158x128xi32, #tpu.memory_space<vmem>>) target_semaphore(%run_scoped3A : memref<!tpu.dma_semaphore, #tpu.memory_space<semaphore_mem>>)
      %dma_wait3A = arith.constant 0 : i32
      %dma_wait3A_63 = arith.constant 0 : i32
      %dma_wait3A_64 = tpu.memref_slice %arg3[%arg1, %dma_wait3A, %dma_wait3A_63] : memref<16x158x128xi32, #tpu.memory_space<hbm>> -> memref<1x158x128xi32, #tpu.memory_space<hbm>>
      %dma_wait3A_65 = tpu.memref_squeeze %dma_wait3A_64 : memref<1x158x128xi32, #tpu.memory_space<hbm>> -> memref<158x128xi32, #tpu.memory_space<hbm>>
      %dma_wait3A_66 = arith.constant 0 : i32
      %dma_wait3A_67 = arith.constant 0 : i32
      %dma_wait3A_68 = tpu.memref_slice %arg3[%arg1, %dma_wait3A_66, %dma_wait3A_67] : memref<16x158x128xi32, #tpu.memory_space<hbm>> -> memref<1x158x128xi32, #tpu.memory_space<hbm>>
      %dma_wait3A_69 = tpu.memref_squeeze %dma_wait3A_68 : memref<1x158x128xi32, #tpu.memory_space<hbm>> -> memref<158x128xi32, #tpu.memory_space<hbm>>
      tpu.wait_dma2 semaphore(%run_scoped3A : memref<!tpu.dma_semaphore, #tpu.memory_space<semaphore_mem>>) src(%dma_wait3A_69 : memref<158x128xi32, #tpu.memory_space<hbm>>) dst(%arg8 : memref<158x128xi32, #tpu.memory_space<vmem>>)
      tpu.yield
    }) : () -> ()
    "tpu.region"() ({
      %run_scoped3A = tpu.sem_alloc : memref<!tpu.dma_semaphore, #tpu.memory_space<semaphore_mem>>
      %dma_start3A = arith.constant 0 : i32
      %dma_start3A_56 = arith.constant 0 : i32
      %dma_start3A_57 = tpu.memref_slice %arg4[%arg1, %dma_start3A, %dma_start3A_56] : memref<16x158x128xi32, #tpu.memory_space<hbm>> -> memref<1x158x128xi32, #tpu.memory_space<hbm>>
      %dma_start3A_58 = tpu.memref_squeeze %dma_start3A_57 : memref<1x158x128xi32, #tpu.memory_space<hbm>> -> memref<158x128xi32, #tpu.memory_space<hbm>>
      %dma_start3A_59 = arith.constant 0 : i32
      %dma_start3A_60 = arith.constant 0 : i32
      %dma_start3A_61 = tpu.memref_slice %arg4[%arg1, %dma_start3A_59, %dma_start3A_60] : memref<16x158x128xi32, #tpu.memory_space<hbm>> -> memref<1x158x128xi32, #tpu.memory_space<hbm>>
      %dma_start3A_62 = tpu.memref_squeeze %dma_start3A_61 : memref<1x158x128xi32, #tpu.memory_space<hbm>> -> memref<158x128xi32, #tpu.memory_space<hbm>>
      tpu.enqueue_dma source(%dma_start3A_62 : memref<158x128xi32, #tpu.memory_space<hbm>>) target(%arg9 : memref<158x128xi32, #tpu.memory_space<vmem>>) target_semaphore(%run_scoped3A : memref<!tpu.dma_semaphore, #tpu.memory_space<semaphore_mem>>)
      %dma_wait3A = arith.constant 0 : i32
      %dma_wait3A_63 = arith.constant 0 : i32
      %dma_wait3A_64 = tpu.memref_slice %arg4[%arg1, %dma_wait3A, %dma_wait3A_63] : memref<16x158x128xi32, #tpu.memory_space<hbm>> -> memref<1x158x128xi32, #tpu.memory_space<hbm>>
      %dma_wait3A_65 = tpu.memref_squeeze %dma_wait3A_64 : memref<1x158x128xi32, #tpu.memory_space<hbm>> -> memref<158x128xi32, #tpu.memory_space<hbm>>
      %dma_wait3A_66 = arith.constant 0 : i32
      %dma_wait3A_67 = arith.constant 0 : i32
      %dma_wait3A_68 = tpu.memref_slice %arg4[%arg1, %dma_wait3A_66, %dma_wait3A_67] : memref<16x158x128xi32, #tpu.memory_space<hbm>> -> memref<1x158x128xi32, #tpu.memory_space<hbm>>
      %dma_wait3A_69 = tpu.memref_squeeze %dma_wait3A_68 : memref<1x158x128xi32, #tpu.memory_space<hbm>> -> memref<158x128xi32, #tpu.memory_space<hbm>>
      tpu.wait_dma2 semaphore(%run_scoped3A : memref<!tpu.dma_semaphore, #tpu.memory_space<semaphore_mem>>) src(%dma_wait3A_69 : memref<158x128xi32, #tpu.memory_space<hbm>>) dst(%arg9 : memref<158x128xi32, #tpu.memory_space<vmem>>)
      tpu.yield
    }) : () -> ()
    %scan3A = arith.constant 0 : i32
    %scan3A_1 = arith.constant 0 : i32
    %scan3A_2 = arith.constant 158 : i32
    %scan3A_3 = arith.addi %scan3A_1, %scan3A_2 : i32
    %scan3A_4 = arith.constant 1 : i32
    %scan3A_5 = scf.for %scan3A_56 = %scan3A_1 to %scan3A_3 step %scan3A_4 iter_args(%scan3A_57 = %scan3A) -> (i32)  : i32 {
      %mul3A_58 = arith.constant 4 : i32
      %mul3A_59 = arith.muli %scan3A_56, %mul3A_58 : i32
      %add3A = arith.constant 0 : i32
      %add3A_60 = arith.addi %mul3A_59, %add3A : i32
      %get3A = arith.index_cast %add3A_60 : i32 to index
      %get3A_61 = arith.constant 0 : index
      %get3A_62 = tpu.vector_load %arg10[%get3A, %get3A_61] {strides = array<i32>} : memref<632x16xf32, #tpu.memory_space<vmem>>, vector<1x16xf32>,
      %get3A_63 = vector.shape_cast %get3A_62 : vector<1x16xf32> to vector<16xf32>
      %mul3A_64 = arith.constant 1.000000e-01 : f32
      %mul3A_65 = vector.broadcast %mul3A_64 : f32 to vector<16xf32>
      %mul3A_66 = arith.mulf %get3A_63, %mul3A_65 : vector<16xf32>
      %swap3A = arith.index_cast %add3A_60 : i32 to index
      %swap3A_67 = arith.constant 0 : index
      %swap3A_68 = tpu.vector_load %arg12[%swap3A, %swap3A_67] {strides = array<i32>} : memref<632x16xf32, #tpu.memory_space<vmem>>, vector<1x16xf32>,
      %swap3A_69 = vector.shape_cast %swap3A_68 : vector<1x16xf32> to vector<16xf32>
      %swap3A_70 = vector.shape_cast %mul3A_66 : vector<16xf32> to vector<1x16xf32>
      tpu.vector_store %arg12[%swap3A, %swap3A_67], %swap3A_70 {strides = array<i32>} : memref<632x16xf32, #tpu.memory_space<vmem>>, vector<1x16xf32>,
      %mul3A_71 = arith.constant 4 : i32
      %mul3A_72 = arith.muli %scan3A_56, %mul3A_71 : i32
      %add3A_73 = arith.constant 1 : i32
      %add3A_74 = arith.addi %mul3A_72, %add3A_73 : i32
      %get3A_75 = arith.index_cast %add3A_74 : i32 to index
      %get3A_76 = arith.constant 0 : index
      %get3A_77 = tpu.vector_load %arg10[%get3A_75, %get3A_76] {strides = array<i32>} : memref<632x16xf32, #tpu.memory_space<vmem>>, vector<1x16xf32>,
      %get3A_78 = vector.shape_cast %get3A_77 : vector<1x16xf32> to vector<16xf32>
      %mul3A_79 = arith.constant 1.000000e-01 : f32
      %mul3A_80 = vector.broadcast %mul3A_79 : f32 to vector<16xf32>
      %mul3A_81 = arith.mulf %get3A_78, %mul3A_80 : vector<16xf32>
      %swap3A_82 = arith.index_cast %add3A_74 : i32 to index
      %swap3A_83 = arith.constant 0 : index
      %swap3A_84 = tpu.vector_load %arg12[%swap3A_82, %swap3A_83] {strides = array<i32>} : memref<632x16xf32, #tpu.memory_space<vmem>>, vector<1x16xf32>,
      %swap3A_85 = vector.shape_cast %swap3A_84 : vector<1x16xf32> to vector<16xf32>
      %swap3A_86 = vector.shape_cast %mul3A_81 : vector<16xf32> to vector<1x16xf32>
      tpu.vector_store %arg12[%swap3A_82, %swap3A_83], %swap3A_86 {strides = array<i32>} : memref<632x16xf32, #tpu.memory_space<vmem>>, vector<1x16xf32>,
      %mul3A_87 = arith.constant 4 : i32
      %mul3A_88 = arith.muli %scan3A_56, %mul3A_87 : i32
      %add3A_89 = arith.constant 2 : i32
      %add3A_90 = arith.addi %mul3A_88, %add3A_89 : i32
      %get3A_91 = arith.index_cast %add3A_90 : i32 to index
      %get3A_92 = arith.constant 0 : index
      %get3A_93 = tpu.vector_load %arg10[%get3A_91, %get3A_92] {strides = array<i32>} : memref<632x16xf32, #tpu.memory_space<vmem>>, vector<1x16xf32>,
      %get3A_94 = vector.shape_cast %get3A_93 : vector<1x16xf32> to vector<16xf32>
      %mul3A_95 = arith.constant 1.000000e-01 : f32
      %mul3A_96 = vector.broadcast %mul3A_95 : f32 to vector<16xf32>
      %mul3A_97 = arith.mulf %get3A_94, %mul3A_96 : vector<16xf32>
      %swap3A_98 = arith.index_cast %add3A_90 : i32 to index
      %swap3A_99 = arith.constant 0 : index
      %swap3A_100 = tpu.vector_load %arg12[%swap3A_98, %swap3A_99] {strides = array<i32>} : memref<632x16xf32, #tpu.memory_space<vmem>>, vector<1x16xf32>,
      %swap3A_101 = vector.shape_cast %swap3A_100 : vector<1x16xf32> to vector<16xf32>
      %swap3A_102 = vector.shape_cast %mul3A_97 : vector<16xf32> to vector<1x16xf32>
      tpu.vector_store %arg12[%swap3A_98, %swap3A_99], %swap3A_102 {strides = array<i32>} : memref<632x16xf32, #tpu.memory_space<vmem>>, vector<1x16xf32>,
      %mul3A_103 = arith.constant 4 : i32
      %mul3A_104 = arith.muli %scan3A_56, %mul3A_103 : i32
      %add3A_105 = arith.constant 3 : i32
      %add3A_106 = arith.addi %mul3A_104, %add3A_105 : i32
      %get3A_107 = arith.index_cast %add3A_106 : i32 to index
      %get3A_108 = arith.constant 0 : index
      %get3A_109 = tpu.vector_load %arg10[%get3A_107, %get3A_108] {strides = array<i32>} : memref<632x16xf32, #tpu.memory_space<vmem>>, vector<1x16xf32>,
      %get3A_110 = vector.shape_cast %get3A_109 : vector<1x16xf32> to vector<16xf32>
      %mul3A_111 = arith.constant 1.000000e-01 : f32
      %mul3A_112 = vector.broadcast %mul3A_111 : f32 to vector<16xf32>
      %mul3A_113 = arith.mulf %get3A_110, %mul3A_112 : vector<16xf32>
      %swap3A_114 = arith.index_cast %add3A_106 : i32 to index
      %swap3A_115 = arith.constant 0 : index
      %swap3A_116 = tpu.vector_load %arg12[%swap3A_114, %swap3A_115] {strides = array<i32>} : memref<632x16xf32, #tpu.memory_space<vmem>>, vector<1x16xf32>,
      %swap3A_117 = vector.shape_cast %swap3A_116 : vector<1x16xf32> to vector<16xf32>
      %swap3A_118 = vector.shape_cast %mul3A_113 : vector<16xf32> to vector<1x16xf32>
      tpu.vector_store %arg12[%swap3A_114, %swap3A_115], %swap3A_118 {strides = array<i32>} : memref<632x16xf32, #tpu.memory_space<vmem>>, vector<1x16xf32>,
      %scan3A_119 = arith.constant 0 : i32
      scf.yield %scan3A_119 : i32
    }
    %scan3A_6 = arith.constant 158 : i32
    %scan3A_7 = arith.constant 0 : i32
    %scan3A_8 = arith.constant 0 : i32
    %scan3A_9 = arith.constant 158 : i32
    %scan3A_10 = arith.addi %scan3A_8, %scan3A_9 : i32
    %scan3A_11 = arith.constant 1 : i32
    %scan3A_12 = scf.for %scan3A_56 = %scan3A_8 to %scan3A_10 step %scan3A_11 iter_args(%scan3A_57 = %scan3A_7) -> (i32)  : i32 {
      %mul3A_58 = arith.constant 4 : i32
      %mul3A_59 = arith.muli %scan3A_56, %mul3A_58 : i32
      %add3A = arith.constant 0 : i32
      %add3A_60 = arith.addi %mul3A_59, %add3A : i32
      %broadcast_in_dim3A = arith.constant 0.000000e+00 : f32
      %broadcast_in_dim3A_61 = vector.broadcast %broadcast_in_dim3A : f32 to vector<16xf32>
      %swap3A = arith.index_cast %add3A_60 : i32 to index
      %swap3A_62 = arith.constant 0 : index
      %swap3A_63 = tpu.vector_load %arg13[%swap3A, %swap3A_62] {strides = array<i32>} : memref<632x16xf32, #tpu.memory_space<vmem>>, vector<1x16xf32>,
      %swap3A_64 = vector.shape_cast %swap3A_63 : vector<1x16xf32> to vector<16xf32>
      %swap3A_65 = vector.shape_cast %broadcast_in_dim3A_61 : vector<16xf32> to vector<1x16xf32>
      tpu.vector_store %arg13[%swap3A, %swap3A_62], %swap3A_65 {strides = array<i32>} : memref<632x16xf32, #tpu.memory_space<vmem>>, vector<1x16xf32>,
      %mul3A_66 = arith.constant 4 : i32
      %mul3A_67 = arith.muli %scan3A_56, %mul3A_66 : i32
      %add3A_68 = arith.constant 1 : i32
      %add3A_69 = arith.addi %mul3A_67, %add3A_68 : i32
      %broadcast_in_dim3A_70 = arith.constant 0.000000e+00 : f32
      %broadcast_in_dim3A_71 = vector.broadcast %broadcast_in_dim3A_70 : f32 to vector<16xf32>
      %swap3A_72 = arith.index_cast %add3A_69 : i32 to index
      %swap3A_73 = arith.constant 0 : index
      %swap3A_74 = tpu.vector_load %arg13[%swap3A_72, %swap3A_73] {strides = array<i32>} : memref<632x16xf32, #tpu.memory_space<vmem>>, vector<1x16xf32>,
      %swap3A_75 = vector.shape_cast %swap3A_74 : vector<1x16xf32> to vector<16xf32>
      %swap3A_76 = vector.shape_cast %broadcast_in_dim3A_71 : vector<16xf32> to vector<1x16xf32>
      tpu.vector_store %arg13[%swap3A_72, %swap3A_73], %swap3A_76 {strides = array<i32>} : memref<632x16xf32, #tpu.memory_space<vmem>>, vector<1x16xf32>,
      %mul3A_77 = arith.constant 4 : i32
      %mul3A_78 = arith.muli %scan3A_56, %mul3A_77 : i32
      %add3A_79 = arith.constant 2 : i32
      %add3A_80 = arith.addi %mul3A_78, %add3A_79 : i32
      %broadcast_in_dim3A_81 = arith.constant 0.000000e+00 : f32
      %broadcast_in_dim3A_82 = vector.broadcast %broadcast_in_dim3A_81 : f32 to vector<16xf32>
      %swap3A_83 = arith.index_cast %add3A_80 : i32 to index
      %swap3A_84 = arith.constant 0 : index
      %swap3A_85 = tpu.vector_load %arg13[%swap3A_83, %swap3A_84] {strides = array<i32>} : memref<632x16xf32, #tpu.memory_space<vmem>>, vector<1x16xf32>,
      %swap3A_86 = vector.shape_cast %swap3A_85 : vector<1x16xf32> to vector<16xf32>
      %swap3A_87 = vector.shape_cast %broadcast_in_dim3A_82 : vector<16xf32> to vector<1x16xf32>
      tpu.vector_store %arg13[%swap3A_83, %swap3A_84], %swap3A_87 {strides = array<i32>} : memref<632x16xf32, #tpu.memory_space<vmem>>, vector<1x16xf32>,
      %mul3A_88 = arith.constant 4 : i32
      %mul3A_89 = arith.muli %scan3A_56, %mul3A_88 : i32
      %add3A_90 = arith.constant 3 : i32
      %add3A_91 = arith.addi %mul3A_89, %add3A_90 : i32
      %broadcast_in_dim3A_92 = arith.constant 0.000000e+00 : f32
      %broadcast_in_dim3A_93 = vector.broadcast %broadcast_in_dim3A_92 : f32 to vector<16xf32>
      %swap3A_94 = arith.index_cast %add3A_91 : i32 to index
      %swap3A_95 = arith.constant 0 : index
      %swap3A_96 = tpu.vector_load %arg13[%swap3A_94, %swap3A_95] {strides = array<i32>} : memref<632x16xf32, #tpu.memory_space<vmem>>, vector<1x16xf32>,
      %swap3A_97 = vector.shape_cast %swap3A_96 : vector<1x16xf32> to vector<16xf32>
      %swap3A_98 = vector.shape_cast %broadcast_in_dim3A_93 : vector<16xf32> to vector<1x16xf32>
      tpu.vector_store %arg13[%swap3A_94, %swap3A_95], %swap3A_98 {strides = array<i32>} : memref<632x16xf32, #tpu.memory_space<vmem>>, vector<1x16xf32>,
      %scan3A_99 = arith.constant 0 : i32
      scf.yield %scan3A_99 : i32
    }
    %scan3A_13 = arith.constant 158 : i32
    %scan3A_14 = arith.constant 0 : i32
    %scan3A_15 = arith.constant 0 : i32
    %scan3A_16 = arith.constant 32 : i32
    %scan3A_17 = arith.addi %scan3A_15, %scan3A_16 : i32
    %scan3A_18 = arith.constant 1 : i32
    %scan3A_19 = scf.for %scan3A_56 = %scan3A_15 to %scan3A_17 step %scan3A_18 iter_args(%scan3A_57 = %scan3A_14) -> (i32)  : i32 {
      %mul3A_58 = arith.constant 4 : i32
      %mul3A_59 = arith.muli %scan3A_56, %mul3A_58 : i32
      %add3A = arith.constant 0 : i32
      %add3A_60 = arith.addi %mul3A_59, %add3A : i32
      %broadcast_in_dim3A = arith.constant 1.000000e+00 : f32
      %broadcast_in_dim3A_61 = vector.broadcast %broadcast_in_dim3A : f32 to vector<16xf32>
      %swap3A = arith.index_cast %add3A_60 : i32 to index
      %swap3A_62 = arith.constant 0 : index
      %swap3A_63 = tpu.vector_load %arg14[%swap3A, %swap3A_62] {strides = array<i32>} : memref<128x16xf32, #tpu.memory_space<vmem>>, vector<1x16xf32>,
      %swap3A_64 = vector.shape_cast %swap3A_63 : vector<1x16xf32> to vector<16xf32>
      %swap3A_65 = vector.shape_cast %broadcast_in_dim3A_61 : vector<16xf32> to vector<1x16xf32>
      tpu.vector_store %arg14[%swap3A, %swap3A_62], %swap3A_65 {strides = array<i32>} : memref<128x16xf32, #tpu.memory_space<vmem>>, vector<1x16xf32>,
      %mul3A_66 = arith.constant 4 : i32
      %mul3A_67 = arith.muli %scan3A_56, %mul3A_66 : i32
      %add3A_68 = arith.constant 1 : i32
      %add3A_69 = arith.addi %mul3A_67, %add3A_68 : i32
      %broadcast_in_dim3A_70 = arith.constant 1.000000e+00 : f32
      %broadcast_in_dim3A_71 = vector.broadcast %broadcast_in_dim3A_70 : f32 to vector<16xf32>
      %swap3A_72 = arith.index_cast %add3A_69 : i32 to index
      %swap3A_73 = arith.constant 0 : index
      %swap3A_74 = tpu.vector_load %arg14[%swap3A_72, %swap3A_73] {strides = array<i32>} : memref<128x16xf32, #tpu.memory_space<vmem>>, vector<1x16xf32>,
      %swap3A_75 = vector.shape_cast %swap3A_74 : vector<1x16xf32> to vector<16xf32>
      %swap3A_76 = vector.shape_cast %broadcast_in_dim3A_71 : vector<16xf32> to vector<1x16xf32>
      tpu.vector_store %arg14[%swap3A_72, %swap3A_73], %swap3A_76 {strides = array<i32>} : memref<128x16xf32, #tpu.memory_space<vmem>>, vector<1x16xf32>,
      %mul3A_77 = arith.constant 4 : i32
      %mul3A_78 = arith.muli %scan3A_56, %mul3A_77 : i32
      %add3A_79 = arith.constant 2 : i32
      %add3A_80 = arith.addi %mul3A_78, %add3A_79 : i32
      %broadcast_in_dim3A_81 = arith.constant 1.000000e+00 : f32
      %broadcast_in_dim3A_82 = vector.broadcast %broadcast_in_dim3A_81 : f32 to vector<16xf32>
      %swap3A_83 = arith.index_cast %add3A_80 : i32 to index
      %swap3A_84 = arith.constant 0 : index
      %swap3A_85 = tpu.vector_load %arg14[%swap3A_83, %swap3A_84] {strides = array<i32>} : memref<128x16xf32, #tpu.memory_space<vmem>>, vector<1x16xf32>,
      %swap3A_86 = vector.shape_cast %swap3A_85 : vector<1x16xf32> to vector<16xf32>
      %swap3A_87 = vector.shape_cast %broadcast_in_dim3A_82 : vector<16xf32> to vector<1x16xf32>
      tpu.vector_store %arg14[%swap3A_83, %swap3A_84], %swap3A_87 {strides = array<i32>} : memref<128x16xf32, #tpu.memory_space<vmem>>, vector<1x16xf32>,
      %mul3A_88 = arith.constant 4 : i32
      %mul3A_89 = arith.muli %scan3A_56, %mul3A_88 : i32
      %add3A_90 = arith.constant 3 : i32
      %add3A_91 = arith.addi %mul3A_89, %add3A_90 : i32
      %broadcast_in_dim3A_92 = arith.constant 1.000000e+00 : f32
      %broadcast_in_dim3A_93 = vector.broadcast %broadcast_in_dim3A_92 : f32 to vector<16xf32>
      %swap3A_94 = arith.index_cast %add3A_91 : i32 to index
      %swap3A_95 = arith.constant 0 : index
      %swap3A_96 = tpu.vector_load %arg14[%swap3A_94, %swap3A_95] {strides = array<i32>} : memref<128x16xf32, #tpu.memory_space<vmem>>, vector<1x16xf32>,
      %swap3A_97 = vector.shape_cast %swap3A_96 : vector<1x16xf32> to vector<16xf32>
      %swap3A_98 = vector.shape_cast %broadcast_in_dim3A_93 : vector<16xf32> to vector<1x16xf32>
      tpu.vector_store %arg14[%swap3A_94, %swap3A_95], %swap3A_98 {strides = array<i32>} : memref<128x16xf32, #tpu.memory_space<vmem>>, vector<1x16xf32>,
      %scan3A_99 = arith.constant 0 : i32
      scf.yield %scan3A_99 : i32
    }
    %scan3A_20 = arith.constant 32 : i32
    "tpu.region"() ({
      %run_scoped3A = tpu.sem_alloc : memref<!tpu.dma_semaphore, #tpu.memory_space<semaphore_mem>>
      %dma_start3A = arith.constant 0 : i32
      %dma_start3A_56 = tpu.memref_slice %arg7[%mul3A_0, %dma_start3A] : memref<10112x16xf32, #tpu.memory_space<vmem_shared>> -> memref<632x16xf32, #tpu.memory_space<vmem_shared>>
      %dma_start3A_57 = arith.constant 0 : i32
      %dma_start3A_58 = tpu.memref_slice %arg7[%mul3A_0, %dma_start3A_57] : memref<10112x16xf32, #tpu.memory_space<vmem_shared>> -> memref<632x16xf32, #tpu.memory_space<vmem_shared>>
      tpu.enqueue_dma source(%arg13 : memref<632x16xf32, #tpu.memory_space<vmem>>) target(%dma_start3A_58 : memref<632x16xf32, #tpu.memory_space<vmem_shared>>) target_semaphore(%run_scoped3A : memref<!tpu.dma_semaphore, #tpu.memory_space<semaphore_mem>>)
      %dma_wait3A = arith.constant 0 : i32
      %dma_wait3A_59 = tpu.memref_slice %arg7[%mul3A_0, %dma_wait3A] : memref<10112x16xf32, #tpu.memory_space<vmem_shared>> -> memref<632x16xf32, #tpu.memory_space<vmem_shared>>
      %dma_wait3A_60 = arith.constant 0 : i32
      %dma_wait3A_61 = tpu.memref_slice %arg7[%mul3A_0, %dma_wait3A_60] : memref<10112x16xf32, #tpu.memory_space<vmem_shared>> -> memref<632x16xf32, #tpu.memory_space<vmem_shared>>
      tpu.wait_dma2 semaphore(%run_scoped3A : memref<!tpu.dma_semaphore, #tpu.memory_space<semaphore_mem>>) src(%arg13 : memref<632x16xf32, #tpu.memory_space<vmem>>) dst(%dma_wait3A_61 : memref<632x16xf32, #tpu.memory_space<vmem_shared>>)
      tpu.yield
    }) : () -> ()
    "tpu.region"() ({
      %run_scoped3A = tpu.sem_alloc : memref<!tpu.dma_semaphore, #tpu.memory_space<semaphore_mem>>
      %dma_start3A = arith.constant 0 : i32
      %dma_start3A_56 = tpu.memref_slice %arg6[%mul3A_0, %dma_start3A] : memref<10112x16xf32, #tpu.memory_space<vmem_shared>> -> memref<632x16xf32, #tpu.memory_space<vmem_shared>>
      %dma_start3A_57 = arith.constant 0 : i32
      %dma_start3A_58 = tpu.memref_slice %arg6[%mul3A_0, %dma_start3A_57] : memref<10112x16xf32, #tpu.memory_space<vmem_shared>> -> memref<632x16xf32, #tpu.memory_space<vmem_shared>>
      tpu.enqueue_dma source(%arg13 : memref<632x16xf32, #tpu.memory_space<vmem>>) target(%dma_start3A_58 : memref<632x16xf32, #tpu.memory_space<vmem_shared>>) target_semaphore(%run_scoped3A : memref<!tpu.dma_semaphore, #tpu.memory_space<semaphore_mem>>)
      %dma_wait3A = arith.constant 0 : i32
      %dma_wait3A_59 = tpu.memref_slice %arg6[%mul3A_0, %dma_wait3A] : memref<10112x16xf32, #tpu.memory_space<vmem_shared>> -> memref<632x16xf32, #tpu.memory_space<vmem_shared>>
      %dma_wait3A_60 = arith.constant 0 : i32
      %dma_wait3A_61 = tpu.memref_slice %arg6[%mul3A_0, %dma_wait3A_60] : memref<10112x16xf32, #tpu.memory_space<vmem_shared>> -> memref<632x16xf32, #tpu.memory_space<vmem_shared>>
      tpu.wait_dma2 semaphore(%run_scoped3A : memref<!tpu.dma_semaphore, #tpu.memory_space<semaphore_mem>>) src(%arg13 : memref<632x16xf32, #tpu.memory_space<vmem>>) dst(%dma_wait3A_61 : memref<632x16xf32, #tpu.memory_space<vmem_shared>>)
      tpu.yield
    }) : () -> ()
    %barrier3A = arith.constant 0 : index
    tpu.barrier barrier_id(%barrier3A)
    %scan3A_21 = arith.constant 0 : i32
    %scan3A_22 = arith.constant 0 : i32
    %scan3A_23 = arith.constant 158 : i32
    %scan3A_24 = arith.addi %scan3A_22, %scan3A_23 : i32
    %scan3A_25 = arith.constant 1 : i32
    %scan3A_26 = scf.for %scan3A_56 = %scan3A_22 to %scan3A_24 step %scan3A_25 iter_args(%scan3A_57 = %scan3A_21) -> (i32)  : i32 {
      %dma_start3A = arith.constant 0 : i32
      %dma_start3A_58 = tpu.memref_slice %arg9[%scan3A_56, %dma_start3A] : memref<158x128xi32, #tpu.memory_space<vmem>> -> memref<1x128xi32, #tpu.memory_space<vmem>>
      %dma_start3A_59 = tpu.memref_squeeze %dma_start3A_58 : memref<1x128xi32, #tpu.memory_space<vmem>> -> memref<128xi32, #tpu.memory_space<vmem>>
      %dma_start3A_60 = arith.constant 0 : i32
      %dma_start3A_61 = arith.constant 0 : i32
      %dma_start3A_62 = tpu.memref_slice %arg7[%dma_start3A_60, %dma_start3A_61] : memref<10112x16xf32, #tpu.memory_space<vmem_shared>> -> memref<10112x16xf32, #tpu.memory_space<vmem_shared>>
      tpu.enqueue_indirect_dma source(%arg14 : memref<128x16xf32, #tpu.memory_space<vmem>>) target(%dma_start3A_62 : memref<10112x16xf32, #tpu.memory_space<vmem_shared>>) offsets(%dma_start3A_59 : memref<128xi32, #tpu.memory_space<vmem>>) semaphore(%arg18 : memref<!tpu.dma_semaphore, #tpu.memory_space<semaphore_mem>>) {add = true}
      %scan3A_63 = arith.constant 0 : i32
      scf.yield %scan3A_63 : i32
    }
    %scan3A_27 = arith.constant 158 : i32
    %scan3A_28 = arith.constant 0 : i32
    %scan3A_29 = arith.constant 0 : i32
    %scan3A_30 = arith.constant 158 : i32
    %scan3A_31 = arith.addi %scan3A_29, %scan3A_30 : i32
    %scan3A_32 = arith.constant 1 : i32
    %scan3A_33 = scf.for %scan3A_56 = %scan3A_29 to %scan3A_31 step %scan3A_32 iter_args(%scan3A_57 = %scan3A_28) -> (i32)  : i32 {
      %dma_wait3A = arith.constant 0 : i32
      %dma_wait3A_58 = arith.constant 0 : i32
      %dma_wait3A_59 = tpu.memref_slice %arg9[%dma_wait3A, %dma_wait3A_58] : memref<158x128xi32, #tpu.memory_space<vmem>> -> memref<1x128xi32, #tpu.memory_space<vmem>>
      %dma_wait3A_60 = tpu.memref_squeeze %dma_wait3A_59 : memref<1x128xi32, #tpu.memory_space<vmem>> -> memref<128xi32, #tpu.memory_space<vmem>>
      %dma_wait3A_61 = arith.constant 0 : i32
      %dma_wait3A_62 = arith.constant 0 : i32
      %dma_wait3A_63 = tpu.memref_slice %arg7[%dma_wait3A_61, %dma_wait3A_62] : memref<10112x16xf32, #tpu.memory_space<vmem_shared>> -> memref<10112x16xf32, #tpu.memory_space<vmem_shared>>
      tpu.wait_indirect_dma semaphore(%arg18 : memref<!tpu.dma_semaphore, #tpu.memory_space<semaphore_mem>>) src(%arg14 : memref<128x16xf32, #tpu.memory_space<vmem>>) dst(%dma_wait3A_63 : memref<10112x16xf32, #tpu.memory_space<vmem_shared>>)
      %scan3A_64 = arith.constant 0 : i32
      scf.yield %scan3A_64 : i32
    }
    %scan3A_34 = arith.constant 158 : i32
    %barrier3A_35 = arith.constant 0 : index
    tpu.barrier barrier_id(%barrier3A_35)
    "tpu.region"() ({
      %run_scoped3A = tpu.sem_alloc : memref<!tpu.dma_semaphore, #tpu.memory_space<semaphore_mem>>
      %dma_start3A = arith.constant 0 : i32
      %dma_start3A_56 = tpu.memref_slice %arg7[%mul3A_0, %dma_start3A] : memref<10112x16xf32, #tpu.memory_space<vmem_shared>> -> memref<632x16xf32, #tpu.memory_space<vmem_shared>>
      %dma_start3A_57 = arith.constant 0 : i32
      %dma_start3A_58 = tpu.memref_slice %arg7[%mul3A_0, %dma_start3A_57] : memref<10112x16xf32, #tpu.memory_space<vmem_shared>> -> memref<632x16xf32, #tpu.memory_space<vmem_shared>>
      tpu.enqueue_dma source(%dma_start3A_58 : memref<632x16xf32, #tpu.memory_space<vmem_shared>>) target(%arg13 : memref<632x16xf32, #tpu.memory_space<vmem>>) target_semaphore(%run_scoped3A : memref<!tpu.dma_semaphore, #tpu.memory_space<semaphore_mem>>)
      %dma_wait3A = arith.constant 0 : i32
      %dma_wait3A_59 = tpu.memref_slice %arg7[%mul3A_0, %dma_wait3A] : memref<10112x16xf32, #tpu.memory_space<vmem_shared>> -> memref<632x16xf32, #tpu.memory_space<vmem_shared>>
      %dma_wait3A_60 = arith.constant 0 : i32
      %dma_wait3A_61 = tpu.memref_slice %arg7[%mul3A_0, %dma_wait3A_60] : memref<10112x16xf32, #tpu.memory_space<vmem_shared>> -> memref<632x16xf32, #tpu.memory_space<vmem_shared>>
      tpu.wait_dma2 semaphore(%run_scoped3A : memref<!tpu.dma_semaphore, #tpu.memory_space<semaphore_mem>>) src(%dma_wait3A_61 : memref<632x16xf32, #tpu.memory_space<vmem_shared>>) dst(%arg13 : memref<632x16xf32, #tpu.memory_space<vmem>>)
      tpu.yield
    }) : () -> ()
    %scan3A_36 = arith.constant 0 : i32
    %scan3A_37 = arith.constant 0 : i32
    %scan3A_38 = arith.constant 158 : i32
    %scan3A_39 = arith.addi %scan3A_37, %scan3A_38 : i32
    %scan3A_40 = arith.constant 1 : i32
    %scan3A_41 = scf.for %scan3A_56 = %scan3A_37 to %scan3A_39 step %scan3A_40 iter_args(%scan3A_57 = %scan3A_36) -> (i32)  : i32 {
      %mul3A_58 = arith.constant 4 : i32
      %mul3A_59 = arith.muli %scan3A_56, %mul3A_58 : i32
      %add3A = arith.constant 0 : i32
      %add3A_60 = arith.addi %mul3A_59, %add3A : i32
      %get3A = arith.index_cast %add3A_60 : i32 to index
      %get3A_61 = arith.constant 0 : index
      %get3A_62 = tpu.vector_load %arg13[%get3A, %get3A_61] {strides = array<i32>} : memref<632x16xf32, #tpu.memory_space<vmem>>, vector<1x16xf32>,
      %get3A_63 = vector.shape_cast %get3A_62 : vector<1x16xf32> to vector<16xf32>
      %add3A_64 = arith.constant 1.000000e+00 : f32
      %add3A_65 = vector.broadcast %add3A_64 : f32 to vector<16xf32>
      %add3A_66 = arith.addf %get3A_63, %add3A_65 : vector<16xf32>
      %bitcast_convert_type3A = tpu.bitcast %add3A_66 : vector<16xf32> -> vector<16xi32>
      %shift_right_arithmetic3A = arith.constant 1 : i32
      %shift_right_arithmetic3A_67 = vector.broadcast %shift_right_arithmetic3A : i32 to vector<16xi32>
      %shift_right_arithmetic3A_68 = arith.shrsi %bitcast_convert_type3A, %shift_right_arithmetic3A_67 : vector<16xi32>
      %sub3A = arith.constant 1597463007 : i32
      %sub3A_69 = vector.broadcast %sub3A : i32 to vector<16xi32>
      %sub3A_70 = arith.subi %sub3A_69, %shift_right_arithmetic3A_68 : vector<16xi32>
      %bitcast_convert_type3A_71 = tpu.bitcast %sub3A_70 : vector<16xi32> -> vector<16xf32>
      %mul3A_72 = arith.constant 5.000000e-01 : f32
      %mul3A_73 = vector.broadcast %mul3A_72 : f32 to vector<16xf32>
      %mul3A_74 = arith.mulf %mul3A_73, %add3A_66 : vector<16xf32>
      %mul3A_75 = arith.mulf %mul3A_74, %bitcast_convert_type3A_71 : vector<16xf32>
      %mul3A_76 = arith.mulf %mul3A_75, %bitcast_convert_type3A_71 : vector<16xf32>
      %sub3A_77 = arith.constant 1.500000e+00 : f32
      %sub3A_78 = vector.broadcast %sub3A_77 : f32 to vector<16xf32>
      %sub3A_79 = arith.subf %sub3A_78, %mul3A_76 : vector<16xf32>
      %mul3A_80 = arith.mulf %bitcast_convert_type3A_71, %sub3A_79 : vector<16xf32>
      %mul3A_81 = arith.constant 5.000000e-01 : f32
      %mul3A_82 = vector.broadcast %mul3A_81 : f32 to vector<16xf32>
      %mul3A_83 = arith.mulf %mul3A_82, %add3A_66 : vector<16xf32>
      %mul3A_84 = arith.mulf %mul3A_83, %mul3A_80 : vector<16xf32>
      %mul3A_85 = arith.mulf %mul3A_84, %mul3A_80 : vector<16xf32>
      %sub3A_86 = arith.constant 1.500000e+00 : f32
      %sub3A_87 = vector.broadcast %sub3A_86 : f32 to vector<16xf32>
      %sub3A_88 = arith.subf %sub3A_87, %mul3A_85 : vector<16xf32>
      %mul3A_89 = arith.mulf %mul3A_80, %sub3A_88 : vector<16xf32>
      %mul3A_90 = arith.constant 5.000000e-01 : f32
      %mul3A_91 = vector.broadcast %mul3A_90 : f32 to vector<16xf32>
      %mul3A_92 = arith.mulf %mul3A_91, %add3A_66 : vector<16xf32>
      %mul3A_93 = arith.mulf %mul3A_92, %mul3A_89 : vector<16xf32>
      %mul3A_94 = arith.mulf %mul3A_93, %mul3A_89 : vector<16xf32>
      %sub3A_95 = arith.constant 1.500000e+00 : f32
      %sub3A_96 = vector.broadcast %sub3A_95 : f32 to vector<16xf32>
      %sub3A_97 = arith.subf %sub3A_96, %mul3A_94 : vector<16xf32>
      %mul3A_98 = arith.mulf %mul3A_89, %sub3A_97 : vector<16xf32>
      %swap3A = arith.index_cast %add3A_60 : i32 to index
      %swap3A_99 = arith.constant 0 : index
      %swap3A_100 = tpu.vector_load %arg11[%swap3A, %swap3A_99] {strides = array<i32>} : memref<632x16xf32, #tpu.memory_space<vmem>>, vector<1x16xf32>,
      %swap3A_101 = vector.shape_cast %swap3A_100 : vector<1x16xf32> to vector<16xf32>
      %swap3A_102 = vector.shape_cast %mul3A_98 : vector<16xf32> to vector<1x16xf32>
      tpu.vector_store %arg11[%swap3A, %swap3A_99], %swap3A_102 {strides = array<i32>} : memref<632x16xf32, #tpu.memory_space<vmem>>, vector<1x16xf32>,
      %mul3A_103 = arith.constant 4 : i32
      %mul3A_104 = arith.muli %scan3A_56, %mul3A_103 : i32
      %add3A_105 = arith.constant 1 : i32
      %add3A_106 = arith.addi %mul3A_104, %add3A_105 : i32
      %get3A_107 = arith.index_cast %add3A_106 : i32 to index
      %get3A_108 = arith.constant 0 : index
      %get3A_109 = tpu.vector_load %arg13[%get3A_107, %get3A_108] {strides = array<i32>} : memref<632x16xf32, #tpu.memory_space<vmem>>, vector<1x16xf32>,
      %get3A_110 = vector.shape_cast %get3A_109 : vector<1x16xf32> to vector<16xf32>
      %add3A_111 = arith.constant 1.000000e+00 : f32
      %add3A_112 = vector.broadcast %add3A_111 : f32 to vector<16xf32>
      %add3A_113 = arith.addf %get3A_110, %add3A_112 : vector<16xf32>
      %bitcast_convert_type3A_114 = tpu.bitcast %add3A_113 : vector<16xf32> -> vector<16xi32>
      %shift_right_arithmetic3A_115 = arith.constant 1 : i32
      %shift_right_arithmetic3A_116 = vector.broadcast %shift_right_arithmetic3A_115 : i32 to vector<16xi32>
      %shift_right_arithmetic3A_117 = arith.shrsi %bitcast_convert_type3A_114, %shift_right_arithmetic3A_116 : vector<16xi32>
      %sub3A_118 = arith.constant 1597463007 : i32
      %sub3A_119 = vector.broadcast %sub3A_118 : i32 to vector<16xi32>
      %sub3A_120 = arith.subi %sub3A_119, %shift_right_arithmetic3A_117 : vector<16xi32>
      %bitcast_convert_type3A_121 = tpu.bitcast %sub3A_120 : vector<16xi32> -> vector<16xf32>
      %mul3A_122 = arith.constant 5.000000e-01 : f32
      %mul3A_123 = vector.broadcast %mul3A_122 : f32 to vector<16xf32>
      %mul3A_124 = arith.mulf %mul3A_123, %add3A_113 : vector<16xf32>
      %mul3A_125 = arith.mulf %mul3A_124, %bitcast_convert_type3A_121 : vector<16xf32>
      %mul3A_126 = arith.mulf %mul3A_125, %bitcast_convert_type3A_121 : vector<16xf32>
      %sub3A_127 = arith.constant 1.500000e+00 : f32
      %sub3A_128 = vector.broadcast %sub3A_127 : f32 to vector<16xf32>
      %sub3A_129 = arith.subf %sub3A_128, %mul3A_126 : vector<16xf32>
      %mul3A_130 = arith.mulf %bitcast_convert_type3A_121, %sub3A_129 : vector<16xf32>
      %mul3A_131 = arith.constant 5.000000e-01 : f32
      %mul3A_132 = vector.broadcast %mul3A_131 : f32 to vector<16xf32>
      %mul3A_133 = arith.mulf %mul3A_132, %add3A_113 : vector<16xf32>
      %mul3A_134 = arith.mulf %mul3A_133, %mul3A_130 : vector<16xf32>
      %mul3A_135 = arith.mulf %mul3A_134, %mul3A_130 : vector<16xf32>
      %sub3A_136 = arith.constant 1.500000e+00 : f32
      %sub3A_137 = vector.broadcast %sub3A_136 : f32 to vector<16xf32>
      %sub3A_138 = arith.subf %sub3A_137, %mul3A_135 : vector<16xf32>
      %mul3A_139 = arith.mulf %mul3A_130, %sub3A_138 : vector<16xf32>
      %mul3A_140 = arith.constant 5.000000e-01 : f32
      %mul3A_141 = vector.broadcast %mul3A_140 : f32 to vector<16xf32>
      %mul3A_142 = arith.mulf %mul3A_141, %add3A_113 : vector<16xf32>
      %mul3A_143 = arith.mulf %mul3A_142, %mul3A_139 : vector<16xf32>
      %mul3A_144 = arith.mulf %mul3A_143, %mul3A_139 : vector<16xf32>
      %sub3A_145 = arith.constant 1.500000e+00 : f32
      %sub3A_146 = vector.broadcast %sub3A_145 : f32 to vector<16xf32>
      %sub3A_147 = arith.subf %sub3A_146, %mul3A_144 : vector<16xf32>
      %mul3A_148 = arith.mulf %mul3A_139, %sub3A_147 : vector<16xf32>
      %swap3A_149 = arith.index_cast %add3A_106 : i32 to index
      %swap3A_150 = arith.constant 0 : index
      %swap3A_151 = tpu.vector_load %arg11[%swap3A_149, %swap3A_150] {strides = array<i32>} : memref<632x16xf32, #tpu.memory_space<vmem>>, vector<1x16xf32>,
      %swap3A_152 = vector.shape_cast %swap3A_151 : vector<1x16xf32> to vector<16xf32>
      %swap3A_153 = vector.shape_cast %mul3A_148 : vector<16xf32> to vector<1x16xf32>
      tpu.vector_store %arg11[%swap3A_149, %swap3A_150], %swap3A_153 {strides = array<i32>} : memref<632x16xf32, #tpu.memory_space<vmem>>, vector<1x16xf32>,
      %mul3A_154 = arith.constant 4 : i32
      %mul3A_155 = arith.muli %scan3A_56, %mul3A_154 : i32
      %add3A_156 = arith.constant 2 : i32
      %add3A_157 = arith.addi %mul3A_155, %add3A_156 : i32
      %get3A_158 = arith.index_cast %add3A_157 : i32 to index
      %get3A_159 = arith.constant 0 : index
      %get3A_160 = tpu.vector_load %arg13[%get3A_158, %get3A_159] {strides = array<i32>} : memref<632x16xf32, #tpu.memory_space<vmem>>, vector<1x16xf32>,
      %get3A_161 = vector.shape_cast %get3A_160 : vector<1x16xf32> to vector<16xf32>
      %add3A_162 = arith.constant 1.000000e+00 : f32
      %add3A_163 = vector.broadcast %add3A_162 : f32 to vector<16xf32>
      %add3A_164 = arith.addf %get3A_161, %add3A_163 : vector<16xf32>
      %bitcast_convert_type3A_165 = tpu.bitcast %add3A_164 : vector<16xf32> -> vector<16xi32>
      %shift_right_arithmetic3A_166 = arith.constant 1 : i32
      %shift_right_arithmetic3A_167 = vector.broadcast %shift_right_arithmetic3A_166 : i32 to vector<16xi32>
      %shift_right_arithmetic3A_168 = arith.shrsi %bitcast_convert_type3A_165, %shift_right_arithmetic3A_167 : vector<16xi32>
      %sub3A_169 = arith.constant 1597463007 : i32
      %sub3A_170 = vector.broadcast %sub3A_169 : i32 to vector<16xi32>
      %sub3A_171 = arith.subi %sub3A_170, %shift_right_arithmetic3A_168 : vector<16xi32>
      %bitcast_convert_type3A_172 = tpu.bitcast %sub3A_171 : vector<16xi32> -> vector<16xf32>
      %mul3A_173 = arith.constant 5.000000e-01 : f32
      %mul3A_174 = vector.broadcast %mul3A_173 : f32 to vector<16xf32>
      %mul3A_175 = arith.mulf %mul3A_174, %add3A_164 : vector<16xf32>
      %mul3A_176 = arith.mulf %mul3A_175, %bitcast_convert_type3A_172 : vector<16xf32>
      %mul3A_177 = arith.mulf %mul3A_176, %bitcast_convert_type3A_172 : vector<16xf32>
      %sub3A_178 = arith.constant 1.500000e+00 : f32
      %sub3A_179 = vector.broadcast %sub3A_178 : f32 to vector<16xf32>
      %sub3A_180 = arith.subf %sub3A_179, %mul3A_177 : vector<16xf32>
      %mul3A_181 = arith.mulf %bitcast_convert_type3A_172, %sub3A_180 : vector<16xf32>
      %mul3A_182 = arith.constant 5.000000e-01 : f32
      %mul3A_183 = vector.broadcast %mul3A_182 : f32 to vector<16xf32>
      %mul3A_184 = arith.mulf %mul3A_183, %add3A_164 : vector<16xf32>
      %mul3A_185 = arith.mulf %mul3A_184, %mul3A_181 : vector<16xf32>
      %mul3A_186 = arith.mulf %mul3A_185, %mul3A_181 : vector<16xf32>
      %sub3A_187 = arith.constant 1.500000e+00 : f32
      %sub3A_188 = vector.broadcast %sub3A_187 : f32 to vector<16xf32>
      %sub3A_189 = arith.subf %sub3A_188, %mul3A_186 : vector<16xf32>
      %mul3A_190 = arith.mulf %mul3A_181, %sub3A_189 : vector<16xf32>
      %mul3A_191 = arith.constant 5.000000e-01 : f32
      %mul3A_192 = vector.broadcast %mul3A_191 : f32 to vector<16xf32>
      %mul3A_193 = arith.mulf %mul3A_192, %add3A_164 : vector<16xf32>
      %mul3A_194 = arith.mulf %mul3A_193, %mul3A_190 : vector<16xf32>
      %mul3A_195 = arith.mulf %mul3A_194, %mul3A_190 : vector<16xf32>
      %sub3A_196 = arith.constant 1.500000e+00 : f32
      %sub3A_197 = vector.broadcast %sub3A_196 : f32 to vector<16xf32>
      %sub3A_198 = arith.subf %sub3A_197, %mul3A_195 : vector<16xf32>
      %mul3A_199 = arith.mulf %mul3A_190, %sub3A_198 : vector<16xf32>
      %swap3A_200 = arith.index_cast %add3A_157 : i32 to index
      %swap3A_201 = arith.constant 0 : index
      %swap3A_202 = tpu.vector_load %arg11[%swap3A_200, %swap3A_201] {strides = array<i32>} : memref<632x16xf32, #tpu.memory_space<vmem>>, vector<1x16xf32>,
      %swap3A_203 = vector.shape_cast %swap3A_202 : vector<1x16xf32> to vector<16xf32>
      %swap3A_204 = vector.shape_cast %mul3A_199 : vector<16xf32> to vector<1x16xf32>
      tpu.vector_store %arg11[%swap3A_200, %swap3A_201], %swap3A_204 {strides = array<i32>} : memref<632x16xf32, #tpu.memory_space<vmem>>, vector<1x16xf32>,
      %mul3A_205 = arith.constant 4 : i32
      %mul3A_206 = arith.muli %scan3A_56, %mul3A_205 : i32
      %add3A_207 = arith.constant 3 : i32
      %add3A_208 = arith.addi %mul3A_206, %add3A_207 : i32
      %get3A_209 = arith.index_cast %add3A_208 : i32 to index
      %get3A_210 = arith.constant 0 : index
      %get3A_211 = tpu.vector_load %arg13[%get3A_209, %get3A_210] {strides = array<i32>} : memref<632x16xf32, #tpu.memory_space<vmem>>, vector<1x16xf32>,
      %get3A_212 = vector.shape_cast %get3A_211 : vector<1x16xf32> to vector<16xf32>
      %add3A_213 = arith.constant 1.000000e+00 : f32
      %add3A_214 = vector.broadcast %add3A_213 : f32 to vector<16xf32>
      %add3A_215 = arith.addf %get3A_212, %add3A_214 : vector<16xf32>
      %bitcast_convert_type3A_216 = tpu.bitcast %add3A_215 : vector<16xf32> -> vector<16xi32>
      %shift_right_arithmetic3A_217 = arith.constant 1 : i32
      %shift_right_arithmetic3A_218 = vector.broadcast %shift_right_arithmetic3A_217 : i32 to vector<16xi32>
      %shift_right_arithmetic3A_219 = arith.shrsi %bitcast_convert_type3A_216, %shift_right_arithmetic3A_218 : vector<16xi32>
      %sub3A_220 = arith.constant 1597463007 : i32
      %sub3A_221 = vector.broadcast %sub3A_220 : i32 to vector<16xi32>
      %sub3A_222 = arith.subi %sub3A_221, %shift_right_arithmetic3A_219 : vector<16xi32>
      %bitcast_convert_type3A_223 = tpu.bitcast %sub3A_222 : vector<16xi32> -> vector<16xf32>
      %mul3A_224 = arith.constant 5.000000e-01 : f32
      %mul3A_225 = vector.broadcast %mul3A_224 : f32 to vector<16xf32>
      %mul3A_226 = arith.mulf %mul3A_225, %add3A_215 : vector<16xf32>
      %mul3A_227 = arith.mulf %mul3A_226, %bitcast_convert_type3A_223 : vector<16xf32>
      %mul3A_228 = arith.mulf %mul3A_227, %bitcast_convert_type3A_223 : vector<16xf32>
      %sub3A_229 = arith.constant 1.500000e+00 : f32
      %sub3A_230 = vector.broadcast %sub3A_229 : f32 to vector<16xf32>
      %sub3A_231 = arith.subf %sub3A_230, %mul3A_228 : vector<16xf32>
      %mul3A_232 = arith.mulf %bitcast_convert_type3A_223, %sub3A_231 : vector<16xf32>
      %mul3A_233 = arith.constant 5.000000e-01 : f32
      %mul3A_234 = vector.broadcast %mul3A_233 : f32 to vector<16xf32>
      %mul3A_235 = arith.mulf %mul3A_234, %add3A_215 : vector<16xf32>
      %mul3A_236 = arith.mulf %mul3A_235, %mul3A_232 : vector<16xf32>
      %mul3A_237 = arith.mulf %mul3A_236, %mul3A_232 : vector<16xf32>
      %sub3A_238 = arith.constant 1.500000e+00 : f32
      %sub3A_239 = vector.broadcast %sub3A_238 : f32 to vector<16xf32>
      %sub3A_240 = arith.subf %sub3A_239, %mul3A_237 : vector<16xf32>
      %mul3A_241 = arith.mulf %mul3A_232, %sub3A_240 : vector<16xf32>
      %mul3A_242 = arith.constant 5.000000e-01 : f32
      %mul3A_243 = vector.broadcast %mul3A_242 : f32 to vector<16xf32>
      %mul3A_244 = arith.mulf %mul3A_243, %add3A_215 : vector<16xf32>
      %mul3A_245 = arith.mulf %mul3A_244, %mul3A_241 : vector<16xf32>
      %mul3A_246 = arith.mulf %mul3A_245, %mul3A_241 : vector<16xf32>
      %sub3A_247 = arith.constant 1.500000e+00 : f32
      %sub3A_248 = vector.broadcast %sub3A_247 : f32 to vector<16xf32>
      %sub3A_249 = arith.subf %sub3A_248, %mul3A_246 : vector<16xf32>
      %mul3A_250 = arith.mulf %mul3A_241, %sub3A_249 : vector<16xf32>
      %swap3A_251 = arith.index_cast %add3A_208 : i32 to index
      %swap3A_252 = arith.constant 0 : index
      %swap3A_253 = tpu.vector_load %arg11[%swap3A_251, %swap3A_252] {strides = array<i32>} : memref<632x16xf32, #tpu.memory_space<vmem>>, vector<1x16xf32>,
      %swap3A_254 = vector.shape_cast %swap3A_253 : vector<1x16xf32> to vector<16xf32>
      %swap3A_255 = vector.shape_cast %mul3A_250 : vector<16xf32> to vector<1x16xf32>
      tpu.vector_store %arg11[%swap3A_251, %swap3A_252], %swap3A_255 {strides = array<i32>} : memref<632x16xf32, #tpu.memory_space<vmem>>, vector<1x16xf32>,
      %scan3A_256 = arith.constant 0 : i32
      scf.yield %scan3A_256 : i32
    }
    %scan3A_42 = arith.constant 158 : i32
    %scan3A_43 = arith.constant 0 : i32
    %scan3A_44 = arith.constant 0 : i32
    %scan3A_45 = arith.constant 158 : i32
    %scan3A_46 = arith.addi %scan3A_44, %scan3A_45 : i32
    %scan3A_47 = arith.constant 1 : i32
    %scan3A_48 = scf.for %scan3A_56 = %scan3A_44 to %scan3A_46 step %scan3A_47 iter_args(%scan3A_57 = %scan3A_43) -> (i32)  : i32 {
      %mul3A_58 = arith.constant 4 : i32
      %mul3A_59 = arith.muli %scan3A_56, %mul3A_58 : i32
      %add3A = arith.constant 0 : i32
      %add3A_60 = arith.addi %mul3A_59, %add3A : i32
      %get3A = arith.index_cast %add3A_60 : i32 to index
      %get3A_61 = arith.constant 0 : index
      %get3A_62 = tpu.vector_load %arg11[%get3A, %get3A_61] {strides = array<i32>} : memref<632x16xf32, #tpu.memory_space<vmem>>, vector<1x16xf32>,
      %get3A_63 = vector.shape_cast %get3A_62 : vector<1x16xf32> to vector<16xf32>
      %get3A_64 = arith.index_cast %add3A_60 : i32 to index
      %get3A_65 = arith.constant 0 : index
      %get3A_66 = tpu.vector_load %arg10[%get3A_64, %get3A_65] {strides = array<i32>} : memref<632x16xf32, #tpu.memory_space<vmem>>, vector<1x16xf32>,
      %get3A_67 = vector.shape_cast %get3A_66 : vector<1x16xf32> to vector<16xf32>
      %mul3A_68 = arith.mulf %get3A_63, %get3A_67 : vector<16xf32>
      %swap3A = arith.index_cast %add3A_60 : i32 to index
      %swap3A_69 = arith.constant 0 : index
      %swap3A_70 = tpu.vector_load %arg13[%swap3A, %swap3A_69] {strides = array<i32>} : memref<632x16xf32, #tpu.memory_space<vmem>>, vector<1x16xf32>,
      %swap3A_71 = vector.shape_cast %swap3A_70 : vector<1x16xf32> to vector<16xf32>
      %swap3A_72 = vector.shape_cast %mul3A_68 : vector<16xf32> to vector<1x16xf32>
      tpu.vector_store %arg13[%swap3A, %swap3A_69], %swap3A_72 {strides = array<i32>} : memref<632x16xf32, #tpu.memory_space<vmem>>, vector<1x16xf32>,
      %mul3A_73 = arith.constant 4 : i32
      %mul3A_74 = arith.muli %scan3A_56, %mul3A_73 : i32
      %add3A_75 = arith.constant 1 : i32
      %add3A_76 = arith.addi %mul3A_74, %add3A_75 : i32
      %get3A_77 = arith.index_cast %add3A_76 : i32 to index
      %get3A_78 = arith.constant 0 : index
      %get3A_79 = tpu.vector_load %arg11[%get3A_77, %get3A_78] {strides = array<i32>} : memref<632x16xf32, #tpu.memory_space<vmem>>, vector<1x16xf32>,
      %get3A_80 = vector.shape_cast %get3A_79 : vector<1x16xf32> to vector<16xf32>
      %get3A_81 = arith.index_cast %add3A_76 : i32 to index
      %get3A_82 = arith.constant 0 : index
      %get3A_83 = tpu.vector_load %arg10[%get3A_81, %get3A_82] {strides = array<i32>} : memref<632x16xf32, #tpu.memory_space<vmem>>, vector<1x16xf32>,
      %get3A_84 = vector.shape_cast %get3A_83 : vector<1x16xf32> to vector<16xf32>
      %mul3A_85 = arith.mulf %get3A_80, %get3A_84 : vector<16xf32>
      %swap3A_86 = arith.index_cast %add3A_76 : i32 to index
      %swap3A_87 = arith.constant 0 : index
      %swap3A_88 = tpu.vector_load %arg13[%swap3A_86, %swap3A_87] {strides = array<i32>} : memref<632x16xf32, #tpu.memory_space<vmem>>, vector<1x16xf32>,
      %swap3A_89 = vector.shape_cast %swap3A_88 : vector<1x16xf32> to vector<16xf32>
      %swap3A_90 = vector.shape_cast %mul3A_85 : vector<16xf32> to vector<1x16xf32>
      tpu.vector_store %arg13[%swap3A_86, %swap3A_87], %swap3A_90 {strides = array<i32>} : memref<632x16xf32, #tpu.memory_space<vmem>>, vector<1x16xf32>,
      %mul3A_91 = arith.constant 4 : i32
      %mul3A_92 = arith.muli %scan3A_56, %mul3A_91 : i32
      %add3A_93 = arith.constant 2 : i32
      %add3A_94 = arith.addi %mul3A_92, %add3A_93 : i32
      %get3A_95 = arith.index_cast %add3A_94 : i32 to index
      %get3A_96 = arith.constant 0 : index
      %get3A_97 = tpu.vector_load %arg11[%get3A_95, %get3A_96] {strides = array<i32>} : memref<632x16xf32, #tpu.memory_space<vmem>>, vector<1x16xf32>,
      %get3A_98 = vector.shape_cast %get3A_97 : vector<1x16xf32> to vector<16xf32>
      %get3A_99 = arith.index_cast %add3A_94 : i32 to index
      %get3A_100 = arith.constant 0 : index
      %get3A_101 = tpu.vector_load %arg10[%get3A_99, %get3A_100] {strides = array<i32>} : memref<632x16xf32, #tpu.memory_space<vmem>>, vector<1x16xf32>,
      %get3A_102 = vector.shape_cast %get3A_101 : vector<1x16xf32> to vector<16xf32>
      %mul3A_103 = arith.mulf %get3A_98, %get3A_102 : vector<16xf32>
      %swap3A_104 = arith.index_cast %add3A_94 : i32 to index
      %swap3A_105 = arith.constant 0 : index
      %swap3A_106 = tpu.vector_load %arg13[%swap3A_104, %swap3A_105] {strides = array<i32>} : memref<632x16xf32, #tpu.memory_space<vmem>>, vector<1x16xf32>,
      %swap3A_107 = vector.shape_cast %swap3A_106 : vector<1x16xf32> to vector<16xf32>
      %swap3A_108 = vector.shape_cast %mul3A_103 : vector<16xf32> to vector<1x16xf32>
      tpu.vector_store %arg13[%swap3A_104, %swap3A_105], %swap3A_108 {strides = array<i32>} : memref<632x16xf32, #tpu.memory_space<vmem>>, vector<1x16xf32>,
      %mul3A_109 = arith.constant 4 : i32
      %mul3A_110 = arith.muli %scan3A_56, %mul3A_109 : i32
      %add3A_111 = arith.constant 3 : i32
      %add3A_112 = arith.addi %mul3A_110, %add3A_111 : i32
      %get3A_113 = arith.index_cast %add3A_112 : i32 to index
      %get3A_114 = arith.constant 0 : index
      %get3A_115 = tpu.vector_load %arg11[%get3A_113, %get3A_114] {strides = array<i32>} : memref<632x16xf32, #tpu.memory_space<vmem>>, vector<1x16xf32>,
      %get3A_116 = vector.shape_cast %get3A_115 : vector<1x16xf32> to vector<16xf32>
      %get3A_117 = arith.index_cast %add3A_112 : i32 to index
      %get3A_118 = arith.constant 0 : index
      %get3A_119 = tpu.vector_load %arg10[%get3A_117, %get3A_118] {strides = array<i32>} : memref<632x16xf32, #tpu.memory_space<vmem>>, vector<1x16xf32>,
      %get3A_120 = vector.shape_cast %get3A_119 : vector<1x16xf32> to vector<16xf32>
      %mul3A_121 = arith.mulf %get3A_116, %get3A_120 : vector<16xf32>
      %swap3A_122 = arith.index_cast %add3A_112 : i32 to index
      %swap3A_123 = arith.constant 0 : index
      %swap3A_124 = tpu.vector_load %arg13[%swap3A_122, %swap3A_123] {strides = array<i32>} : memref<632x16xf32, #tpu.memory_space<vmem>>, vector<1x16xf32>,
      %swap3A_125 = vector.shape_cast %swap3A_124 : vector<1x16xf32> to vector<16xf32>
      %swap3A_126 = vector.shape_cast %mul3A_121 : vector<16xf32> to vector<1x16xf32>
      tpu.vector_store %arg13[%swap3A_122, %swap3A_123], %swap3A_126 {strides = array<i32>} : memref<632x16xf32, #tpu.memory_space<vmem>>, vector<1x16xf32>,
      %scan3A_127 = arith.constant 0 : i32
      scf.yield %scan3A_127 : i32
    }
    %scan3A_49 = arith.constant 158 : i32
    %scan3A_50 = arith.constant 0 : i32
    %scan3A_51 = arith.constant 0 : i32
    %scan3A_52 = arith.constant 20 : i32
    %scan3A_53 = arith.addi %scan3A_51, %scan3A_52 : i32
    %scan3A_54 = arith.constant 1 : i32
    scf.for %scan3A_56 = %scan3A_51 to %scan3A_53 step %scan3A_54  : i32 {
      %dma_start3A = arith.constant 0 : i32
      %dma_start3A_57 = tpu.memref_slice %arg6[%mul3A_0, %dma_start3A] : memref<10112x16xf32, #tpu.memory_space<vmem_shared>> -> memref<632x16xf32, #tpu.memory_space<vmem_shared>>
      %dma_start3A_58 = arith.constant 0 : i32
      %dma_start3A_59 = tpu.memref_slice %arg6[%mul3A_0, %dma_start3A_58] : memref<10112x16xf32, #tpu.memory_space<vmem_shared>> -> memref<632x16xf32, #tpu.memory_space<vmem_shared>>
      tpu.enqueue_dma source(%arg13 : memref<632x16xf32, #tpu.memory_space<vmem>>) target(%dma_start3A_59 : memref<632x16xf32, #tpu.memory_space<vmem_shared>>) target_semaphore(%arg16 : memref<!tpu.dma_semaphore, #tpu.memory_space<semaphore_mem>>)
      %dma_start3A_60 = arith.constant 0 : i32
      %dma_start3A_61 = tpu.memref_slice %arg7[%mul3A_0, %dma_start3A_60] : memref<10112x16xf32, #tpu.memory_space<vmem_shared>> -> memref<632x16xf32, #tpu.memory_space<vmem_shared>>
      %dma_start3A_62 = arith.constant 0 : i32
      %dma_start3A_63 = tpu.memref_slice %arg7[%mul3A_0, %dma_start3A_62] : memref<10112x16xf32, #tpu.memory_space<vmem_shared>> -> memref<632x16xf32, #tpu.memory_space<vmem_shared>>
      tpu.enqueue_dma source(%arg13 : memref<632x16xf32, #tpu.memory_space<vmem>>) target(%dma_start3A_63 : memref<632x16xf32, #tpu.memory_space<vmem_shared>>) target_semaphore(%arg18 : memref<!tpu.dma_semaphore, #tpu.memory_space<semaphore_mem>>)
      %dma_wait3A = arith.constant 0 : i32
      %dma_wait3A_64 = tpu.memref_slice %arg6[%mul3A_0, %dma_wait3A] : memref<10112x16xf32, #tpu.memory_space<vmem_shared>> -> memref<632x16xf32, #tpu.memory_space<vmem_shared>>
      %dma_wait3A_65 = arith.constant 0 : i32
      %dma_wait3A_66 = tpu.memref_slice %arg6[%mul3A_0, %dma_wait3A_65] : memref<10112x16xf32, #tpu.memory_space<vmem_shared>> -> memref<632x16xf32, #tpu.memory_space<vmem_shared>>
      tpu.wait_dma2 semaphore(%arg16 : memref<!tpu.dma_semaphore, #tpu.memory_space<semaphore_mem>>) src(%arg13 : memref<632x16xf32, #tpu.memory_space<vmem>>) dst(%dma_wait3A_66 : memref<632x16xf32, #tpu.memory_space<vmem_shared>>)
      %dma_wait3A_67 = arith.constant 0 : i32
      %dma_wait3A_68 = tpu.memref_slice %arg7[%mul3A_0, %dma_wait3A_67] : memref<10112x16xf32, #tpu.memory_space<vmem_shared>> -> memref<632x16xf32, #tpu.memory_space<vmem_shared>>
      %dma_wait3A_69 = arith.constant 0 : i32
      %dma_wait3A_70 = tpu.memref_slice %arg7[%mul3A_0, %dma_wait3A_69] : memref<10112x16xf32, #tpu.memory_space<vmem_shared>> -> memref<632x16xf32, #tpu.memory_space<vmem_shared>>
      tpu.wait_dma2 semaphore(%arg18 : memref<!tpu.dma_semaphore, #tpu.memory_space<semaphore_mem>>) src(%arg13 : memref<632x16xf32, #tpu.memory_space<vmem>>) dst(%dma_wait3A_70 : memref<632x16xf32, #tpu.memory_space<vmem_shared>>)
      %barrier3A_71 = arith.constant 0 : index
      tpu.barrier barrier_id(%barrier3A_71)
      %dma_start3A_72 = arith.constant 0 : i32
      %dma_start3A_73 = arith.constant 0 : i32
      %dma_start3A_74 = tpu.memref_slice %arg8[%dma_start3A_72, %dma_start3A_73] : memref<158x128xi32, #tpu.memory_space<vmem>> -> memref<1x128xi32, #tpu.memory_space<vmem>>
      %dma_start3A_75 = tpu.memref_squeeze %dma_start3A_74 : memref<1x128xi32, #tpu.memory_space<vmem>> -> memref<128xi32, #tpu.memory_space<vmem>>
      %dma_start3A_76 = arith.constant 0 : i32
      %dma_start3A_77 = arith.constant 0 : i32
      %dma_start3A_78 = tpu.memref_slice %arg6[%dma_start3A_76, %dma_start3A_77] : memref<10112x16xf32, #tpu.memory_space<vmem_shared>> -> memref<10112x16xf32, #tpu.memory_space<vmem_shared>>
      tpu.enqueue_indirect_dma source(%dma_start3A_78 : memref<10112x16xf32, #tpu.memory_space<vmem_shared>>) target(%arg14 : memref<128x16xf32, #tpu.memory_space<vmem>>) offsets(%dma_start3A_75 : memref<128xi32, #tpu.memory_space<vmem>>) semaphore(%arg16 : memref<!tpu.dma_semaphore, #tpu.memory_space<semaphore_mem>>)
      %dma_wait3A_79 = arith.constant 0 : i32
      %dma_wait3A_80 = arith.constant 0 : i32
      %dma_wait3A_81 = tpu.memref_slice %arg8[%dma_wait3A_79, %dma_wait3A_80] : memref<158x128xi32, #tpu.memory_space<vmem>> -> memref<1x128xi32, #tpu.memory_space<vmem>>
      %dma_wait3A_82 = tpu.memref_squeeze %dma_wait3A_81 : memref<1x128xi32, #tpu.memory_space<vmem>> -> memref<128xi32, #tpu.memory_space<vmem>>
      %dma_wait3A_83 = arith.constant 0 : i32
      %dma_wait3A_84 = arith.constant 0 : i32
      %dma_wait3A_85 = tpu.memref_slice %arg6[%dma_wait3A_83, %dma_wait3A_84] : memref<10112x16xf32, #tpu.memory_space<vmem_shared>> -> memref<10112x16xf32, #tpu.memory_space<vmem_shared>>
      tpu.wait_indirect_dma semaphore(%arg16 : memref<!tpu.dma_semaphore, #tpu.memory_space<semaphore_mem>>) src(%dma_wait3A_85 : memref<10112x16xf32, #tpu.memory_space<vmem_shared>>) dst(%arg14 : memref<128x16xf32, #tpu.memory_space<vmem>>)
      %dma_start3A_86 = arith.constant 0 : i32
      %dma_start3A_87 = arith.constant 0 : i32
      %dma_start3A_88 = tpu.memref_slice %arg9[%dma_start3A_86, %dma_start3A_87] : memref<158x128xi32, #tpu.memory_space<vmem>> -> memref<1x128xi32, #tpu.memory_space<vmem>>
      %dma_start3A_89 = tpu.memref_squeeze %dma_start3A_88 : memref<1x128xi32, #tpu.memory_space<vmem>> -> memref<128xi32, #tpu.memory_space<vmem>>
      %dma_start3A_90 = arith.constant 0 : i32
      %dma_start3A_91 = arith.constant 0 : i32
      %dma_start3A_92 = tpu.memref_slice %arg7[%dma_start3A_90, %dma_start3A_91] : memref<10112x16xf32, #tpu.memory_space<vmem_shared>> -> memref<10112x16xf32, #tpu.memory_space<vmem_shared>>
      tpu.enqueue_indirect_dma source(%arg14 : memref<128x16xf32, #tpu.memory_space<vmem>>) target(%dma_start3A_92 : memref<10112x16xf32, #tpu.memory_space<vmem_shared>>) offsets(%dma_start3A_89 : memref<128xi32, #tpu.memory_space<vmem>>) semaphore(%arg18 : memref<!tpu.dma_semaphore, #tpu.memory_space<semaphore_mem>>) {add = true}
      %dma_start3A_93 = arith.constant 1 : i32
      %dma_start3A_94 = arith.constant 0 : i32
      %dma_start3A_95 = tpu.memref_slice %arg8[%dma_start3A_93, %dma_start3A_94] : memref<158x128xi32, #tpu.memory_space<vmem>> -> memref<1x128xi32, #tpu.memory_space<vmem>>
      %dma_start3A_96 = tpu.memref_squeeze %dma_start3A_95 : memref<1x128xi32, #tpu.memory_space<vmem>> -> memref<128xi32, #tpu.memory_space<vmem>>
      %dma_start3A_97 = arith.constant 0 : i32
      %dma_start3A_98 = arith.constant 0 : i32
      %dma_start3A_99 = tpu.memref_slice %arg6[%dma_start3A_97, %dma_start3A_98] : memref<10112x16xf32, #tpu.memory_space<vmem_shared>> -> memref<10112x16xf32, #tpu.memory_space<vmem_shared>>
      tpu.enqueue_indirect_dma source(%dma_start3A_99 : memref<10112x16xf32, #tpu.memory_space<vmem_shared>>) target(%arg15 : memref<128x16xf32, #tpu.memory_space<vmem>>) offsets(%dma_start3A_96 : memref<128xi32, #tpu.memory_space<vmem>>) semaphore(%arg17 : memref<!tpu.dma_semaphore, #tpu.memory_space<semaphore_mem>>)
      %scan3A_100 = arith.constant 0 : i32
      %scan3A_101 = arith.constant 0 : i32
      %scan3A_102 = arith.constant 78 : i32
      %scan3A_103 = arith.addi %scan3A_101, %scan3A_102 : i32
      %scan3A_104 = arith.constant 1 : i32
      %scan3A_105 = scf.for %scan3A_143 = %scan3A_101 to %scan3A_103 step %scan3A_104 iter_args(%scan3A_144 = %scan3A_100) -> (i32)  : i32 {
        %mul3A_145 = arith.constant 2 : i32
        %mul3A_146 = arith.muli %mul3A_145, %scan3A_143 : i32
        %add3A = arith.constant 1 : i32
        %add3A_147 = arith.addi %mul3A_146, %add3A : i32
        %dma_wait3A_148 = arith.constant 0 : i32
        %dma_wait3A_149 = tpu.memref_slice %arg8[%add3A_147, %dma_wait3A_148] : memref<158x128xi32, #tpu.memory_space<vmem>> -> memref<1x128xi32, #tpu.memory_space<vmem>>
        %dma_wait3A_150 = tpu.memref_squeeze %dma_wait3A_149 : memref<1x128xi32, #tpu.memory_space<vmem>> -> memref<128xi32, #tpu.memory_space<vmem>>
        %dma_wait3A_151 = arith.constant 0 : i32
        %dma_wait3A_152 = arith.constant 0 : i32
        %dma_wait3A_153 = tpu.memref_slice %arg6[%dma_wait3A_151, %dma_wait3A_152] : memref<10112x16xf32, #tpu.memory_space<vmem_shared>> -> memref<10112x16xf32, #tpu.memory_space<vmem_shared>>
        tpu.wait_indirect_dma semaphore(%arg17 : memref<!tpu.dma_semaphore, #tpu.memory_space<semaphore_mem>>) src(%dma_wait3A_153 : memref<10112x16xf32, #tpu.memory_space<vmem_shared>>) dst(%arg15 : memref<128x16xf32, #tpu.memory_space<vmem>>)
        %dma_start3A_154 = arith.constant 0 : i32
        %dma_start3A_155 = tpu.memref_slice %arg9[%add3A_147, %dma_start3A_154] : memref<158x128xi32, #tpu.memory_space<vmem>> -> memref<1x128xi32, #tpu.memory_space<vmem>>
        %dma_start3A_156 = tpu.memref_squeeze %dma_start3A_155 : memref<1x128xi32, #tpu.memory_space<vmem>> -> memref<128xi32, #tpu.memory_space<vmem>>
        %dma_start3A_157 = arith.constant 0 : i32
        %dma_start3A_158 = arith.constant 0 : i32
        %dma_start3A_159 = tpu.memref_slice %arg7[%dma_start3A_157, %dma_start3A_158] : memref<10112x16xf32, #tpu.memory_space<vmem_shared>> -> memref<10112x16xf32, #tpu.memory_space<vmem_shared>>
        tpu.enqueue_indirect_dma source(%arg15 : memref<128x16xf32, #tpu.memory_space<vmem>>) target(%dma_start3A_159 : memref<10112x16xf32, #tpu.memory_space<vmem_shared>>) offsets(%dma_start3A_156 : memref<128xi32, #tpu.memory_space<vmem>>) semaphore(%arg19 : memref<!tpu.dma_semaphore, #tpu.memory_space<semaphore_mem>>) {add = true}
        %sub3A = arith.constant 1 : i32
        %sub3A_160 = arith.subi %add3A_147, %sub3A : i32
        %dma_wait3A_161 = arith.constant 0 : i32
        %dma_wait3A_162 = tpu.memref_slice %arg9[%sub3A_160, %dma_wait3A_161] : memref<158x128xi32, #tpu.memory_space<vmem>> -> memref<1x128xi32, #tpu.memory_space<vmem>>
        %dma_wait3A_163 = tpu.memref_squeeze %dma_wait3A_162 : memref<1x128xi32, #tpu.memory_space<vmem>> -> memref<128xi32, #tpu.memory_space<vmem>>
        %dma_wait3A_164 = arith.constant 0 : i32
        %dma_wait3A_165 = arith.constant 0 : i32
        %dma_wait3A_166 = tpu.memref_slice %arg7[%dma_wait3A_164, %dma_wait3A_165] : memref<10112x16xf32, #tpu.memory_space<vmem_shared>> -> memref<10112x16xf32, #tpu.memory_space<vmem_shared>>
        tpu.wait_indirect_dma semaphore(%arg18 : memref<!tpu.dma_semaphore, #tpu.memory_space<semaphore_mem>>) src(%arg14 : memref<128x16xf32, #tpu.memory_space<vmem>>) dst(%dma_wait3A_166 : memref<10112x16xf32, #tpu.memory_space<vmem_shared>>)
        %add3A_167 = arith.constant 1 : i32
        %add3A_168 = arith.addi %add3A_147, %add3A_167 : i32
        %dma_start3A_169 = arith.constant 0 : i32
        %dma_start3A_170 = tpu.memref_slice %arg8[%add3A_168, %dma_start3A_169] : memref<158x128xi32, #tpu.memory_space<vmem>> -> memref<1x128xi32, #tpu.memory_space<vmem>>
        %dma_start3A_171 = tpu.memref_squeeze %dma_start3A_170 : memref<1x128xi32, #tpu.memory_space<vmem>> -> memref<128xi32, #tpu.memory_space<vmem>>
        %dma_start3A_172 = arith.constant 0 : i32
        %dma_start3A_173 = arith.constant 0 : i32
        %dma_start3A_174 = tpu.memref_slice %arg6[%dma_start3A_172, %dma_start3A_173] : memref<10112x16xf32, #tpu.memory_space<vmem_shared>> -> memref<10112x16xf32, #tpu.memory_space<vmem_shared>>
        tpu.enqueue_indirect_dma source(%dma_start3A_174 : memref<10112x16xf32, #tpu.memory_space<vmem_shared>>) target(%arg14 : memref<128x16xf32, #tpu.memory_space<vmem>>) offsets(%dma_start3A_171 : memref<128xi32, #tpu.memory_space<vmem>>) semaphore(%arg16 : memref<!tpu.dma_semaphore, #tpu.memory_space<semaphore_mem>>)
        %add3A_175 = arith.constant 1 : i32
        %add3A_176 = arith.addi %add3A_147, %add3A_175 : i32
        %dma_wait3A_177 = arith.constant 0 : i32
        %dma_wait3A_178 = tpu.memref_slice %arg8[%add3A_176, %dma_wait3A_177] : memref<158x128xi32, #tpu.memory_space<vmem>> -> memref<1x128xi32, #tpu.memory_space<vmem>>
        %dma_wait3A_179 = tpu.memref_squeeze %dma_wait3A_178 : memref<1x128xi32, #tpu.memory_space<vmem>> -> memref<128xi32, #tpu.memory_space<vmem>>
        %dma_wait3A_180 = arith.constant 0 : i32
        %dma_wait3A_181 = arith.constant 0 : i32
        %dma_wait3A_182 = tpu.memref_slice %arg6[%dma_wait3A_180, %dma_wait3A_181] : memref<10112x16xf32, #tpu.memory_space<vmem_shared>> -> memref<10112x16xf32, #tpu.memory_space<vmem_shared>>
        tpu.wait_indirect_dma semaphore(%arg16 : memref<!tpu.dma_semaphore, #tpu.memory_space<semaphore_mem>>) src(%dma_wait3A_182 : memref<10112x16xf32, #tpu.memory_space<vmem_shared>>) dst(%arg14 : memref<128x16xf32, #tpu.memory_space<vmem>>)
        %add3A_183 = arith.constant 1 : i32
        %add3A_184 = arith.addi %add3A_147, %add3A_183 : i32
        %dma_start3A_185 = arith.constant 0 : i32
        %dma_start3A_186 = tpu.memref_slice %arg9[%add3A_184, %dma_start3A_185] : memref<158x128xi32, #tpu.memory_space<vmem>> -> memref<1x128xi32, #tpu.memory_space<vmem>>
        %dma_start3A_187 = tpu.memref_squeeze %dma_start3A_186 : memref<1x128xi32, #tpu.memory_space<vmem>> -> memref<128xi32, #tpu.memory_space<vmem>>
        %dma_start3A_188 = arith.constant 0 : i32
        %dma_start3A_189 = arith.constant 0 : i32
        %dma_start3A_190 = tpu.memref_slice %arg7[%dma_start3A_188, %dma_start3A_189] : memref<10112x16xf32, #tpu.memory_space<vmem_shared>> -> memref<10112x16xf32, #tpu.memory_space<vmem_shared>>
        tpu.enqueue_indirect_dma source(%arg14 : memref<128x16xf32, #tpu.memory_space<vmem>>) target(%dma_start3A_190 : memref<10112x16xf32, #tpu.memory_space<vmem_shared>>) offsets(%dma_start3A_187 : memref<128xi32, #tpu.memory_space<vmem>>) semaphore(%arg18 : memref<!tpu.dma_semaphore, #tpu.memory_space<semaphore_mem>>) {add = true}
        %dma_wait3A_191 = arith.constant 0 : i32
        %dma_wait3A_192 = tpu.memref_slice %arg9[%add3A_147, %dma_wait3A_191] : memref<158x128xi32, #tpu.memory_space<vmem>> -> memref<1x128xi32, #tpu.memory_space<vmem>>
        %dma_wait3A_193 = tpu.memref_squeeze %dma_wait3A_192 : memref<1x128xi32, #tpu.memory_space<vmem>> -> memref<128xi32, #tpu.memory_space<vmem>>
        %dma_wait3A_194 = arith.constant 0 : i32
        %dma_wait3A_195 = arith.constant 0 : i32
        %dma_wait3A_196 = tpu.memref_slice %arg7[%dma_wait3A_194, %dma_wait3A_195] : memref<10112x16xf32, #tpu.memory_space<vmem_shared>> -> memref<10112x16xf32, #tpu.memory_space<vmem_shared>>
        tpu.wait_indirect_dma semaphore(%arg19 : memref<!tpu.dma_semaphore, #tpu.memory_space<semaphore_mem>>) src(%arg15 : memref<128x16xf32, #tpu.memory_space<vmem>>) dst(%dma_wait3A_196 : memref<10112x16xf32, #tpu.memory_space<vmem_shared>>)
        %add3A_197 = arith.constant 2 : i32
        %add3A_198 = arith.addi %add3A_147, %add3A_197 : i32
        %min3A = arith.constant 157 : i32
        %min3A_199 = arith.minsi %add3A_198, %min3A : i32
        %dma_start3A_200 = arith.constant 0 : i32
        %dma_start3A_201 = tpu.memref_slice %arg8[%min3A_199, %dma_start3A_200] : memref<158x128xi32, #tpu.memory_space<vmem>> -> memref<1x128xi32, #tpu.memory_space<vmem>>
        %dma_start3A_202 = tpu.memref_squeeze %dma_start3A_201 : memref<1x128xi32, #tpu.memory_space<vmem>> -> memref<128xi32, #tpu.memory_space<vmem>>
        %dma_start3A_203 = arith.constant 0 : i32
        %dma_start3A_204 = arith.constant 0 : i32
        %dma_start3A_205 = tpu.memref_slice %arg6[%dma_start3A_203, %dma_start3A_204] : memref<10112x16xf32, #tpu.memory_space<vmem_shared>> -> memref<10112x16xf32, #tpu.memory_space<vmem_shared>>
        tpu.enqueue_indirect_dma source(%dma_start3A_205 : memref<10112x16xf32, #tpu.memory_space<vmem_shared>>) target(%arg15 : memref<128x16xf32, #tpu.memory_space<vmem>>) offsets(%dma_start3A_202 : memref<128xi32, #tpu.memory_space<vmem>>) semaphore(%arg17 : memref<!tpu.dma_semaphore, #tpu.memory_space<semaphore_mem>>)
        %scan3A_206 = arith.constant 0 : i32
        scf.yield %scan3A_206 : i32
      }
      %scan3A_106 = arith.constant 78 : i32
      %dma_wait3A_107 = arith.constant 157 : i32
      %dma_wait3A_108 = arith.constant 0 : i32
      %dma_wait3A_109 = tpu.memref_slice %arg8[%dma_wait3A_107, %dma_wait3A_108] : memref<158x128xi32, #tpu.memory_space<vmem>> -> memref<1x128xi32, #tpu.memory_space<vmem>>
      %dma_wait3A_110 = tpu.memref_squeeze %dma_wait3A_109 : memref<1x128xi32, #tpu.memory_space<vmem>> -> memref<128xi32, #tpu.memory_space<vmem>>
      %dma_wait3A_111 = arith.constant 0 : i32
      %dma_wait3A_112 = arith.constant 0 : i32
      %dma_wait3A_113 = tpu.memref_slice %arg6[%dma_wait3A_111, %dma_wait3A_112] : memref<10112x16xf32, #tpu.memory_space<vmem_shared>> -> memref<10112x16xf32, #tpu.memory_space<vmem_shared>>
      tpu.wait_indirect_dma semaphore(%arg17 : memref<!tpu.dma_semaphore, #tpu.memory_space<semaphore_mem>>) src(%dma_wait3A_113 : memref<10112x16xf32, #tpu.memory_space<vmem_shared>>) dst(%arg15 : memref<128x16xf32, #tpu.memory_space<vmem>>)
      %dma_start3A_114 = arith.constant 157 : i32
      %dma_start3A_115 = arith.constant 0 : i32
      %dma_start3A_116 = tpu.memref_slice %arg9[%dma_start3A_114, %dma_start3A_115] : memref<158x128xi32, #tpu.memory_space<vmem>> -> memref<1x128xi32, #tpu.memory_space<vmem>>
      %dma_start3A_117 = tpu.memref_squeeze %dma_start3A_116 : memref<1x128xi32, #tpu.memory_space<vmem>> -> memref<128xi32, #tpu.memory_space<vmem>>
      %dma_start3A_118 = arith.constant 0 : i32
      %dma_start3A_119 = arith.constant 0 : i32
      %dma_start3A_120 = tpu.memref_slice %arg7[%dma_start3A_118, %dma_start3A_119] : memref<10112x16xf32, #tpu.memory_space<vmem_shared>> -> memref<10112x16xf32, #tpu.memory_space<vmem_shared>>
      tpu.enqueue_indirect_dma source(%arg15 : memref<128x16xf32, #tpu.memory_space<vmem>>) target(%dma_start3A_120 : memref<10112x16xf32, #tpu.memory_space<vmem_shared>>) offsets(%dma_start3A_117 : memref<128xi32, #tpu.memory_space<vmem>>) semaphore(%arg19 : memref<!tpu.dma_semaphore, #tpu.memory_space<semaphore_mem>>) {add = true}
      %dma_wait3A_121 = arith.constant 156 : i32
      %dma_wait3A_122 = arith.constant 0 : i32
      %dma_wait3A_123 = tpu.memref_slice %arg9[%dma_wait3A_121, %dma_wait3A_122] : memref<158x128xi32, #tpu.memory_space<vmem>> -> memref<1x128xi32, #tpu.memory_space<vmem>>
      %dma_wait3A_124 = tpu.memref_squeeze %dma_wait3A_123 : memref<1x128xi32, #tpu.memory_space<vmem>> -> memref<128xi32, #tpu.memory_space<vmem>>
      %dma_wait3A_125 = arith.constant 0 : i32
      %dma_wait3A_126 = arith.constant 0 : i32
      %dma_wait3A_127 = tpu.memref_slice %arg7[%dma_wait3A_125, %dma_wait3A_126] : memref<10112x16xf32, #tpu.memory_space<vmem_shared>> -> memref<10112x16xf32, #tpu.memory_space<vmem_shared>>
      tpu.wait_indirect_dma semaphore(%arg18 : memref<!tpu.dma_semaphore, #tpu.memory_space<semaphore_mem>>) src(%arg14 : memref<128x16xf32, #tpu.memory_space<vmem>>) dst(%dma_wait3A_127 : memref<10112x16xf32, #tpu.memory_space<vmem_shared>>)
      %dma_wait3A_128 = arith.constant 157 : i32
      %dma_wait3A_129 = arith.constant 0 : i32
      %dma_wait3A_130 = tpu.memref_slice %arg9[%dma_wait3A_128, %dma_wait3A_129] : memref<158x128xi32, #tpu.memory_space<vmem>> -> memref<1x128xi32, #tpu.memory_space<vmem>>
      %dma_wait3A_131 = tpu.memref_squeeze %dma_wait3A_130 : memref<1x128xi32, #tpu.memory_space<vmem>> -> memref<128xi32, #tpu.memory_space<vmem>>
      %dma_wait3A_132 = arith.constant 0 : i32
      %dma_wait3A_133 = arith.constant 0 : i32
      %dma_wait3A_134 = tpu.memref_slice %arg7[%dma_wait3A_132, %dma_wait3A_133] : memref<10112x16xf32, #tpu.memory_space<vmem_shared>> -> memref<10112x16xf32, #tpu.memory_space<vmem_shared>>
      tpu.wait_indirect_dma semaphore(%arg19 : memref<!tpu.dma_semaphore, #tpu.memory_space<semaphore_mem>>) src(%arg15 : memref<128x16xf32, #tpu.memory_space<vmem>>) dst(%dma_wait3A_134 : memref<10112x16xf32, #tpu.memory_space<vmem_shared>>)
      %barrier3A_135 = arith.constant 0 : index
      tpu.barrier barrier_id(%barrier3A_135)
      "tpu.region"() ({
        %run_scoped3A = tpu.sem_alloc : memref<!tpu.dma_semaphore, #tpu.memory_space<semaphore_mem>>
        %dma_start3A_143 = arith.constant 0 : i32
        %dma_start3A_144 = tpu.memref_slice %arg7[%mul3A_0, %dma_start3A_143] : memref<10112x16xf32, #tpu.memory_space<vmem_shared>> -> memref<632x16xf32, #tpu.memory_space<vmem_shared>>
        %dma_start3A_145 = arith.constant 0 : i32
        %dma_start3A_146 = tpu.memref_slice %arg7[%mul3A_0, %dma_start3A_145] : memref<10112x16xf32, #tpu.memory_space<vmem_shared>> -> memref<632x16xf32, #tpu.memory_space<vmem_shared>>
        tpu.enqueue_dma source(%dma_start3A_146 : memref<632x16xf32, #tpu.memory_space<vmem_shared>>) target(%arg13 : memref<632x16xf32, #tpu.memory_space<vmem>>) target_semaphore(%run_scoped3A : memref<!tpu.dma_semaphore, #tpu.memory_space<semaphore_mem>>)
        %dma_wait3A_147 = arith.constant 0 : i32
        %dma_wait3A_148 = tpu.memref_slice %arg7[%mul3A_0, %dma_wait3A_147] : memref<10112x16xf32, #tpu.memory_space<vmem_shared>> -> memref<632x16xf32, #tpu.memory_space<vmem_shared>>
        %dma_wait3A_149 = arith.constant 0 : i32
        %dma_wait3A_150 = tpu.memref_slice %arg7[%mul3A_0, %dma_wait3A_149] : memref<10112x16xf32, #tpu.memory_space<vmem_shared>> -> memref<632x16xf32, #tpu.memory_space<vmem_shared>>
        tpu.wait_dma2 semaphore(%run_scoped3A : memref<!tpu.dma_semaphore, #tpu.memory_space<semaphore_mem>>) src(%dma_wait3A_150 : memref<632x16xf32, #tpu.memory_space<vmem_shared>>) dst(%arg13 : memref<632x16xf32, #tpu.memory_space<vmem>>)
        tpu.yield
      }) : () -> ()
      %scan3A_136 = arith.constant 0 : i32
      %scan3A_137 = arith.constant 0 : i32
      %scan3A_138 = arith.constant 158 : i32
      %scan3A_139 = arith.addi %scan3A_137, %scan3A_138 : i32
      %scan3A_140 = arith.constant 1 : i32
      %scan3A_141 = scf.for %scan3A_143 = %scan3A_137 to %scan3A_139 step %scan3A_140 iter_args(%scan3A_144 = %scan3A_136) -> (i32)  : i32 {
        %mul3A_145 = arith.constant 4 : i32
        %mul3A_146 = arith.muli %scan3A_143, %mul3A_145 : i32
        %add3A = arith.constant 0 : i32
        %add3A_147 = arith.addi %mul3A_146, %add3A : i32
        %get3A = arith.index_cast %add3A_147 : i32 to index
        %get3A_148 = arith.constant 0 : index
        %get3A_149 = tpu.vector_load %arg11[%get3A, %get3A_148] {strides = array<i32>} : memref<632x16xf32, #tpu.memory_space<vmem>>, vector<1x16xf32>,
        %get3A_150 = vector.shape_cast %get3A_149 : vector<1x16xf32> to vector<16xf32>
        %mul3A_151 = arith.constant 0.899999976 : f32
        %mul3A_152 = vector.broadcast %mul3A_151 : f32 to vector<16xf32>
        %mul3A_153 = arith.mulf %mul3A_152, %get3A_150 : vector<16xf32>
        %get3A_154 = arith.index_cast %add3A_147 : i32 to index
        %get3A_155 = arith.constant 0 : index
        %get3A_156 = tpu.vector_load %arg13[%get3A_154, %get3A_155] {strides = array<i32>} : memref<632x16xf32, #tpu.memory_space<vmem>>, vector<1x16xf32>,
        %get3A_157 = vector.shape_cast %get3A_156 : vector<1x16xf32> to vector<16xf32>
        %mul3A_158 = arith.mulf %mul3A_153, %get3A_157 : vector<16xf32>
        %get3A_159 = arith.index_cast %add3A_147 : i32 to index
        %get3A_160 = arith.constant 0 : index
        %get3A_161 = tpu.vector_load %arg12[%get3A_159, %get3A_160] {strides = array<i32>} : memref<632x16xf32, #tpu.memory_space<vmem>>, vector<1x16xf32>,
        %get3A_162 = vector.shape_cast %get3A_161 : vector<1x16xf32> to vector<16xf32>
        %add3A_163 = arith.addf %mul3A_158, %get3A_162 : vector<16xf32>
        %swap3A = arith.index_cast %add3A_147 : i32 to index
        %swap3A_164 = arith.constant 0 : index
        %swap3A_165 = tpu.vector_load %arg10[%swap3A, %swap3A_164] {strides = array<i32>} : memref<632x16xf32, #tpu.memory_space<vmem>>, vector<1x16xf32>,
        %swap3A_166 = vector.shape_cast %swap3A_165 : vector<1x16xf32> to vector<16xf32>
        %swap3A_167 = vector.shape_cast %add3A_163 : vector<16xf32> to vector<1x16xf32>
        tpu.vector_store %arg10[%swap3A, %swap3A_164], %swap3A_167 {strides = array<i32>} : memref<632x16xf32, #tpu.memory_space<vmem>>, vector<1x16xf32>,
        %get3A_168 = arith.index_cast %add3A_147 : i32 to index
        %get3A_169 = arith.constant 0 : index
        %get3A_170 = tpu.vector_load %arg11[%get3A_168, %get3A_169] {strides = array<i32>} : memref<632x16xf32, #tpu.memory_space<vmem>>, vector<1x16xf32>,
        %get3A_171 = vector.shape_cast %get3A_170 : vector<1x16xf32> to vector<16xf32>
        %mul3A_172 = arith.mulf %get3A_171, %add3A_163 : vector<16xf32>
        %swap3A_173 = arith.index_cast %add3A_147 : i32 to index
        %swap3A_174 = arith.constant 0 : index
        %swap3A_175 = tpu.vector_load %arg13[%swap3A_173, %swap3A_174] {strides = array<i32>} : memref<632x16xf32, #tpu.memory_space<vmem>>, vector<1x16xf32>,
        %swap3A_176 = vector.shape_cast %swap3A_175 : vector<1x16xf32> to vector<16xf32>
        %swap3A_177 = vector.shape_cast %mul3A_172 : vector<16xf32> to vector<1x16xf32>
        tpu.vector_store %arg13[%swap3A_173, %swap3A_174], %swap3A_177 {strides = array<i32>} : memref<632x16xf32, #tpu.memory_space<vmem>>, vector<1x16xf32>,
        %mul3A_178 = arith.constant 4 : i32
        %mul3A_179 = arith.muli %scan3A_143, %mul3A_178 : i32
        %add3A_180 = arith.constant 1 : i32
        %add3A_181 = arith.addi %mul3A_179, %add3A_180 : i32
        %get3A_182 = arith.index_cast %add3A_181 : i32 to index
        %get3A_183 = arith.constant 0 : index
        %get3A_184 = tpu.vector_load %arg11[%get3A_182, %get3A_183] {strides = array<i32>} : memref<632x16xf32, #tpu.memory_space<vmem>>, vector<1x16xf32>,
        %get3A_185 = vector.shape_cast %get3A_184 : vector<1x16xf32> to vector<16xf32>
        %mul3A_186 = arith.constant 0.899999976 : f32
        %mul3A_187 = vector.broadcast %mul3A_186 : f32 to vector<16xf32>
        %mul3A_188 = arith.mulf %mul3A_187, %get3A_185 : vector<16xf32>
        %get3A_189 = arith.index_cast %add3A_181 : i32 to index
        %get3A_190 = arith.constant 0 : index
        %get3A_191 = tpu.vector_load %arg13[%get3A_189, %get3A_190] {strides = array<i32>} : memref<632x16xf32, #tpu.memory_space<vmem>>, vector<1x16xf32>,
        %get3A_192 = vector.shape_cast %get3A_191 : vector<1x16xf32> to vector<16xf32>
        %mul3A_193 = arith.mulf %mul3A_188, %get3A_192 : vector<16xf32>
        %get3A_194 = arith.index_cast %add3A_181 : i32 to index
        %get3A_195 = arith.constant 0 : index
        %get3A_196 = tpu.vector_load %arg12[%get3A_194, %get3A_195] {strides = array<i32>} : memref<632x16xf32, #tpu.memory_space<vmem>>, vector<1x16xf32>,
        %get3A_197 = vector.shape_cast %get3A_196 : vector<1x16xf32> to vector<16xf32>
        %add3A_198 = arith.addf %mul3A_193, %get3A_197 : vector<16xf32>
        %swap3A_199 = arith.index_cast %add3A_181 : i32 to index
        %swap3A_200 = arith.constant 0 : index
        %swap3A_201 = tpu.vector_load %arg10[%swap3A_199, %swap3A_200] {strides = array<i32>} : memref<632x16xf32, #tpu.memory_space<vmem>>, vector<1x16xf32>,
        %swap3A_202 = vector.shape_cast %swap3A_201 : vector<1x16xf32> to vector<16xf32>
        %swap3A_203 = vector.shape_cast %add3A_198 : vector<16xf32> to vector<1x16xf32>
        tpu.vector_store %arg10[%swap3A_199, %swap3A_200], %swap3A_203 {strides = array<i32>} : memref<632x16xf32, #tpu.memory_space<vmem>>, vector<1x16xf32>,
        %get3A_204 = arith.index_cast %add3A_181 : i32 to index
        %get3A_205 = arith.constant 0 : index
        %get3A_206 = tpu.vector_load %arg11[%get3A_204, %get3A_205] {strides = array<i32>} : memref<632x16xf32, #tpu.memory_space<vmem>>, vector<1x16xf32>,
        %get3A_207 = vector.shape_cast %get3A_206 : vector<1x16xf32> to vector<16xf32>
        %mul3A_208 = arith.mulf %get3A_207, %add3A_198 : vector<16xf32>
        %swap3A_209 = arith.index_cast %add3A_181 : i32 to index
        %swap3A_210 = arith.constant 0 : index
        %swap3A_211 = tpu.vector_load %arg13[%swap3A_209, %swap3A_210] {strides = array<i32>} : memref<632x16xf32, #tpu.memory_space<vmem>>, vector<1x16xf32>,
        %swap3A_212 = vector.shape_cast %swap3A_211 : vector<1x16xf32> to vector<16xf32>
        %swap3A_213 = vector.shape_cast %mul3A_208 : vector<16xf32> to vector<1x16xf32>
        tpu.vector_store %arg13[%swap3A_209, %swap3A_210], %swap3A_213 {strides = array<i32>} : memref<632x16xf32, #tpu.memory_space<vmem>>, vector<1x16xf32>,
        %mul3A_214 = arith.constant 4 : i32
        %mul3A_215 = arith.muli %scan3A_143, %mul3A_214 : i32
        %add3A_216 = arith.constant 2 : i32
        %add3A_217 = arith.addi %mul3A_215, %add3A_216 : i32
        %get3A_218 = arith.index_cast %add3A_217 : i32 to index
        %get3A_219 = arith.constant 0 : index
        %get3A_220 = tpu.vector_load %arg11[%get3A_218, %get3A_219] {strides = array<i32>} : memref<632x16xf32, #tpu.memory_space<vmem>>, vector<1x16xf32>,
        %get3A_221 = vector.shape_cast %get3A_220 : vector<1x16xf32> to vector<16xf32>
        %mul3A_222 = arith.constant 0.899999976 : f32
        %mul3A_223 = vector.broadcast %mul3A_222 : f32 to vector<16xf32>
        %mul3A_224 = arith.mulf %mul3A_223, %get3A_221 : vector<16xf32>
        %get3A_225 = arith.index_cast %add3A_217 : i32 to index
        %get3A_226 = arith.constant 0 : index
        %get3A_227 = tpu.vector_load %arg13[%get3A_225, %get3A_226] {strides = array<i32>} : memref<632x16xf32, #tpu.memory_space<vmem>>, vector<1x16xf32>,
        %get3A_228 = vector.shape_cast %get3A_227 : vector<1x16xf32> to vector<16xf32>
        %mul3A_229 = arith.mulf %mul3A_224, %get3A_228 : vector<16xf32>
        %get3A_230 = arith.index_cast %add3A_217 : i32 to index
        %get3A_231 = arith.constant 0 : index
        %get3A_232 = tpu.vector_load %arg12[%get3A_230, %get3A_231] {strides = array<i32>} : memref<632x16xf32, #tpu.memory_space<vmem>>, vector<1x16xf32>,
        %get3A_233 = vector.shape_cast %get3A_232 : vector<1x16xf32> to vector<16xf32>
        %add3A_234 = arith.addf %mul3A_229, %get3A_233 : vector<16xf32>
        %swap3A_235 = arith.index_cast %add3A_217 : i32 to index
        %swap3A_236 = arith.constant 0 : index
        %swap3A_237 = tpu.vector_load %arg10[%swap3A_235, %swap3A_236] {strides = array<i32>} : memref<632x16xf32, #tpu.memory_space<vmem>>, vector<1x16xf32>,
        %swap3A_238 = vector.shape_cast %swap3A_237 : vector<1x16xf32> to vector<16xf32>
        %swap3A_239 = vector.shape_cast %add3A_234 : vector<16xf32> to vector<1x16xf32>
        tpu.vector_store %arg10[%swap3A_235, %swap3A_236], %swap3A_239 {strides = array<i32>} : memref<632x16xf32, #tpu.memory_space<vmem>>, vector<1x16xf32>,
        %get3A_240 = arith.index_cast %add3A_217 : i32 to index
        %get3A_241 = arith.constant 0 : index
        %get3A_242 = tpu.vector_load %arg11[%get3A_240, %get3A_241] {strides = array<i32>} : memref<632x16xf32, #tpu.memory_space<vmem>>, vector<1x16xf32>,
        %get3A_243 = vector.shape_cast %get3A_242 : vector<1x16xf32> to vector<16xf32>
        %mul3A_244 = arith.mulf %get3A_243, %add3A_234 : vector<16xf32>
        %swap3A_245 = arith.index_cast %add3A_217 : i32 to index
        %swap3A_246 = arith.constant 0 : index
        %swap3A_247 = tpu.vector_load %arg13[%swap3A_245, %swap3A_246] {strides = array<i32>} : memref<632x16xf32, #tpu.memory_space<vmem>>, vector<1x16xf32>,
        %swap3A_248 = vector.shape_cast %swap3A_247 : vector<1x16xf32> to vector<16xf32>
        %swap3A_249 = vector.shape_cast %mul3A_244 : vector<16xf32> to vector<1x16xf32>
        tpu.vector_store %arg13[%swap3A_245, %swap3A_246], %swap3A_249 {strides = array<i32>} : memref<632x16xf32, #tpu.memory_space<vmem>>, vector<1x16xf32>,
        %mul3A_250 = arith.constant 4 : i32
        %mul3A_251 = arith.muli %scan3A_143, %mul3A_250 : i32
        %add3A_252 = arith.constant 3 : i32
        %add3A_253 = arith.addi %mul3A_251, %add3A_252 : i32
        %get3A_254 = arith.index_cast %add3A_253 : i32 to index
        %get3A_255 = arith.constant 0 : index
        %get3A_256 = tpu.vector_load %arg11[%get3A_254, %get3A_255] {strides = array<i32>} : memref<632x16xf32, #tpu.memory_space<vmem>>, vector<1x16xf32>,
        %get3A_257 = vector.shape_cast %get3A_256 : vector<1x16xf32> to vector<16xf32>
        %mul3A_258 = arith.constant 0.899999976 : f32
        %mul3A_259 = vector.broadcast %mul3A_258 : f32 to vector<16xf32>
        %mul3A_260 = arith.mulf %mul3A_259, %get3A_257 : vector<16xf32>
        %get3A_261 = arith.index_cast %add3A_253 : i32 to index
        %get3A_262 = arith.constant 0 : index
        %get3A_263 = tpu.vector_load %arg13[%get3A_261, %get3A_262] {strides = array<i32>} : memref<632x16xf32, #tpu.memory_space<vmem>>, vector<1x16xf32>,
        %get3A_264 = vector.shape_cast %get3A_263 : vector<1x16xf32> to vector<16xf32>
        %mul3A_265 = arith.mulf %mul3A_260, %get3A_264 : vector<16xf32>
        %get3A_266 = arith.index_cast %add3A_253 : i32 to index
        %get3A_267 = arith.constant 0 : index
        %get3A_268 = tpu.vector_load %arg12[%get3A_266, %get3A_267] {strides = array<i32>} : memref<632x16xf32, #tpu.memory_space<vmem>>, vector<1x16xf32>,
        %get3A_269 = vector.shape_cast %get3A_268 : vector<1x16xf32> to vector<16xf32>
        %add3A_270 = arith.addf %mul3A_265, %get3A_269 : vector<16xf32>
        %swap3A_271 = arith.index_cast %add3A_253 : i32 to index
        %swap3A_272 = arith.constant 0 : index
        %swap3A_273 = tpu.vector_load %arg10[%swap3A_271, %swap3A_272] {strides = array<i32>} : memref<632x16xf32, #tpu.memory_space<vmem>>, vector<1x16xf32>,
        %swap3A_274 = vector.shape_cast %swap3A_273 : vector<1x16xf32> to vector<16xf32>
        %swap3A_275 = vector.shape_cast %add3A_270 : vector<16xf32> to vector<1x16xf32>
        tpu.vector_store %arg10[%swap3A_271, %swap3A_272], %swap3A_275 {strides = array<i32>} : memref<632x16xf32, #tpu.memory_space<vmem>>, vector<1x16xf32>,
        %get3A_276 = arith.index_cast %add3A_253 : i32 to index
        %get3A_277 = arith.constant 0 : index
        %get3A_278 = tpu.vector_load %arg11[%get3A_276, %get3A_277] {strides = array<i32>} : memref<632x16xf32, #tpu.memory_space<vmem>>, vector<1x16xf32>,
        %get3A_279 = vector.shape_cast %get3A_278 : vector<1x16xf32> to vector<16xf32>
        %mul3A_280 = arith.mulf %get3A_279, %add3A_270 : vector<16xf32>
        %swap3A_281 = arith.index_cast %add3A_253 : i32 to index
        %swap3A_282 = arith.constant 0 : index
        %swap3A_283 = tpu.vector_load %arg13[%swap3A_281, %swap3A_282] {strides = array<i32>} : memref<632x16xf32, #tpu.memory_space<vmem>>, vector<1x16xf32>,
        %swap3A_284 = vector.shape_cast %swap3A_283 : vector<1x16xf32> to vector<16xf32>
        %swap3A_285 = vector.shape_cast %mul3A_280 : vector<16xf32> to vector<1x16xf32>
        tpu.vector_store %arg13[%swap3A_281, %swap3A_282], %swap3A_285 {strides = array<i32>} : memref<632x16xf32, #tpu.memory_space<vmem>>, vector<1x16xf32>,
        %scan3A_286 = arith.constant 0 : i32
        scf.yield %scan3A_286 : i32
      }
      %scan3A_142 = arith.constant 158 : i32
    }
    %scan3A_55 = arith.constant 20 : i32
    "tpu.region"() ({
      %run_scoped3A = tpu.sem_alloc : memref<!tpu.dma_semaphore, #tpu.memory_space<semaphore_mem>>
      %dma_start3A = arith.constant 0 : i32
      %dma_start3A_56 = tpu.memref_slice %arg5[%arg0, %mul3A_0, %dma_start3A] : memref<2x10112x16xf32, #tpu.memory_space<hbm>> -> memref<1x632x16xf32, #tpu.memory_space<hbm>>
      %dma_start3A_57 = tpu.memref_squeeze %dma_start3A_56 : memref<1x632x16xf32, #tpu.memory_space<hbm>> -> memref<632x16xf32, #tpu.memory_space<hbm>>
      %dma_start3A_58 = arith.constant 0 : i32
      %dma_start3A_59 = tpu.memref_slice %arg5[%arg0, %mul3A_0, %dma_start3A_58] : memref<2x10112x16xf32, #tpu.memory_space<hbm>> -> memref<1x632x16xf32, #tpu.memory_space<hbm>>
      %dma_start3A_60 = tpu.memref_squeeze %dma_start3A_59 : memref<1x632x16xf32, #tpu.memory_space<hbm>> -> memref<632x16xf32, #tpu.memory_space<hbm>>
      tpu.enqueue_dma source(%arg10 : memref<632x16xf32, #tpu.memory_space<vmem>>) target(%dma_start3A_60 : memref<632x16xf32, #tpu.memory_space<hbm>>) target_semaphore(%run_scoped3A : memref<!tpu.dma_semaphore, #tpu.memory_space<semaphore_mem>>)
      %dma_wait3A = arith.constant 0 : i32
      %dma_wait3A_61 = tpu.memref_slice %arg5[%arg0, %mul3A_0, %dma_wait3A] : memref<2x10112x16xf32, #tpu.memory_space<hbm>> -> memref<1x632x16xf32, #tpu.memory_space<hbm>>
      %dma_wait3A_62 = tpu.memref_squeeze %dma_wait3A_61 : memref<1x632x16xf32, #tpu.memory_space<hbm>> -> memref<632x16xf32, #tpu.memory_space<hbm>>
      %dma_wait3A_63 = arith.constant 0 : i32
      %dma_wait3A_64 = tpu.memref_slice %arg5[%arg0, %mul3A_0, %dma_wait3A_63] : memref<2x10112x16xf32, #tpu.memory_space<hbm>> -> memref<1x632x16xf32, #tpu.memory_space<hbm>>
      %dma_wait3A_65 = tpu.memref_squeeze %dma_wait3A_64 : memref<1x632x16xf32, #tpu.memory_space<hbm>> -> memref<632x16xf32, #tpu.memory_space<hbm>>
      tpu.wait_dma2 semaphore(%run_scoped3A : memref<!tpu.dma_semaphore, #tpu.memory_space<semaphore_mem>>) src(%arg10 : memref<632x16xf32, #tpu.memory_space<vmem>>) dst(%dma_wait3A_65 : memref<632x16xf32, #tpu.memory_space<hbm>>)
      tpu.yield
    }) : () -> ()
    return
  }
}

module attributes {stable_mosaic.version = 14 : i64} {
  func.func @_mlp_body(%arg0: i32, %arg1: memref<1000x128xf32, #tpu.memory_space<vmem>>, %arg2: memref<128x128xf32, #tpu.memory_space<vmem>>, %arg3: memref<1x128xf32, #tpu.memory_space<vmem>>, %arg4: memref<128x32xf32, #tpu.memory_space<vmem>>, %arg5: memref<1x32xf32, #tpu.memory_space<vmem>>, %arg6: memref<1000x32xf32, #tpu.memory_space<vmem>>) attributes {dimension_semantics = [#tpu.dimension_semantics<arbitrary>], iteration_bounds = array<i64: 10>, scalar_prefetch = 0 : i64, scratch_operands = 0 : i64, tpu.core_type = #tpu.core_type<tc>, window_params = [{transform_indices = @transform_0, window_bounds = array<i64: 1000, 128>}, {pipeline_mode = #tpu.pipeline_mode<synchronous>, transform_indices = @transform_1, window_bounds = array<i64: 128, 128>}, {pipeline_mode = #tpu.pipeline_mode<synchronous>, transform_indices = @transform_2, window_bounds = array<i64: 1, 128>}, {pipeline_mode = #tpu.pipeline_mode<synchronous>, transform_indices = @transform_3, window_bounds = array<i64: 128, 32>}, {pipeline_mode = #tpu.pipeline_mode<synchronous>, transform_indices = @transform_4, window_bounds = array<i64: 1, 32>}, {transform_indices = @transform_5, window_bounds = array<i64: 1000, 32>}]} {
    %get3A = arith.constant 0 : index
    %get3A_0 = arith.constant 0 : index
    %get3A_1 = vector.load %arg1[%get3A, %get3A_0] : memref<1000x128xf32, #tpu.memory_space<vmem>>, vector<1000x128xf32>
    %get3A_2 = arith.constant 0 : index
    %get3A_3 = arith.constant 0 : index
    %get3A_4 = vector.load %arg2[%get3A_2, %get3A_3] : memref<128x128xf32, #tpu.memory_space<vmem>>, vector<128x128xf32>
    %dot_general3A = arith.constant dense<0.000000e+00> : vector<1000x128xf32>
    %dot_general3A_5 = tpu.matmul %get3A_1, %get3A_4, %dot_general3A {dimension_numbers = #tpu.dot_dimension_numbers<[1], [0], [0], [1], [0, 0, 1, 1], [], []>, transpose_lhs_hint = false} : vector<1000x128xf32>, vector<128x128xf32>, vector<1000x128xf32> -> vector<1000x128xf32>
    %get3A_6 = arith.constant 0 : index
    %get3A_7 = arith.constant 0 : index
    %get3A_8 = vector.load %arg3[%get3A_6, %get3A_7] : memref<1x128xf32, #tpu.memory_space<vmem>>, vector<1x128xf32>
    %add3A = vector.broadcast %get3A_8 : vector<1x128xf32> to vector<1000x128xf32>
    %add3A_9 = arith.addf %dot_general3A_5, %add3A : vector<1000x128xf32>
    %max3A = arith.constant 0.000000e+00 : f32
    %max3A_10 = vector.broadcast %max3A : f32 to vector<1000x128xf32>
    %max3A_11 = arith.maximumf %add3A_9, %max3A_10 : vector<1000x128xf32>
    %get3A_12 = arith.constant 0 : index
    %get3A_13 = arith.constant 0 : index
    %get3A_14 = vector.load %arg4[%get3A_12, %get3A_13] : memref<128x32xf32, #tpu.memory_space<vmem>>, vector<128x32xf32>
    %dot_general3A_15 = arith.constant dense<0.000000e+00> : vector<1000x32xf32>
    %dot_general3A_16 = tpu.matmul %max3A_11, %get3A_14, %dot_general3A_15 {dimension_numbers = #tpu.dot_dimension_numbers<[1], [0], [0], [1], [0, 0, 1, 1], [], []>, transpose_lhs_hint = false} : vector<1000x128xf32>, vector<128x32xf32>, vector<1000x32xf32> -> vector<1000x32xf32>
    %get3A_17 = arith.constant 0 : index
    %get3A_18 = arith.constant 0 : index
    %get3A_19 = vector.load %arg5[%get3A_17, %get3A_18] : memref<1x32xf32, #tpu.memory_space<vmem>>, vector<1x32xf32>
    %add3A_20 = vector.broadcast %get3A_19 : vector<1x32xf32> to vector<1000x32xf32>
    %add3A_21 = arith.addf %dot_general3A_16, %add3A_20 : vector<1000x32xf32>
    %swap3A = arith.constant 0 : index
    %swap3A_22 = arith.constant 0 : index
    %swap3A_23 = vector.load %arg6[%swap3A, %swap3A_22] : memref<1000x32xf32, #tpu.memory_space<vmem>>, vector<1000x32xf32>
    tpu.vector_store %arg6[%swap3A, %swap3A_22], %add3A_21 {strides = array<i32>} : memref<1000x32xf32, #tpu.memory_space<vmem>>, vector<1000x32xf32>,
    return
  }
  func.func @transform_0(%arg0: i32) -> (i32, i32) {
    %c0_i32 = arith.constant 0 : i32
    %c0_i32_0 = arith.constant 0 : i32
    return %arg0, %c0_i32 : i32, i32
  }
  func.func @transform_1(%arg0: i32) -> (i32, i32) {
    %c0_i32 = arith.constant 0 : i32
    %c0_i32_0 = arith.constant 0 : i32
    %c0_i32_1 = arith.constant 0 : i32
    return %c0_i32, %c0_i32_0 : i32, i32
  }
  func.func @transform_2(%arg0: i32) -> (i32, i32) {
    %c0_i32 = arith.constant 0 : i32
    %c0_i32_0 = arith.constant 0 : i32
    %c0_i32_1 = arith.constant 0 : i32
    return %c0_i32, %c0_i32_0 : i32, i32
  }
  func.func @transform_3(%arg0: i32) -> (i32, i32) {
    %c0_i32 = arith.constant 0 : i32
    %c0_i32_0 = arith.constant 0 : i32
    %c0_i32_1 = arith.constant 0 : i32
    return %c0_i32, %c0_i32_0 : i32, i32
  }
  func.func @transform_4(%arg0: i32) -> (i32, i32) {
    %c0_i32 = arith.constant 0 : i32
    %c0_i32_0 = arith.constant 0 : i32
    %c0_i32_1 = arith.constant 0 : i32
    return %c0_i32, %c0_i32_0 : i32, i32
  }
  func.func @transform_5(%arg0: i32) -> (i32, i32) {
    %c0_i32 = arith.constant 0 : i32
    %c0_i32_0 = arith.constant 0 : i32
    return %arg0, %c0_i32 : i32, i32
  }
}

module attributes {stable_mosaic.version = 14 : i64} {
  func.func @_softmax_body(%arg0: i32, %arg1: memref<1000x32xf32, #tpu.memory_space<vmem>>, %arg2: memref<1000x32xf32, #tpu.memory_space<vmem>>) attributes {dimension_semantics = [#tpu.dimension_semantics<arbitrary>], iteration_bounds = array<i64: 10>, scalar_prefetch = 0 : i64, scratch_operands = 0 : i64, tpu.core_type = #tpu.core_type<tc>, window_params = [{transform_indices = @transform_0, window_bounds = array<i64: 1000, 32>}, {transform_indices = @transform_1, window_bounds = array<i64: 1000, 32>}]} {
    %get3A = arith.constant 0 : index
    %get3A_0 = arith.constant 0 : index
    %get3A_1 = vector.load %arg1[%get3A, %get3A_0] : memref<1000x32xf32, #tpu.memory_space<vmem>>, vector<1000x32xf32>
    %reduce_max3A = arith.constant dense<0xFF800000> : vector<1000xf32>
    %reduce_max3A_2 = vector.multi_reduction <maximumf>, %get3A_1, %reduce_max3A [1] : vector<1000x32xf32> to vector<1000xf32>
    %broadcast_in_dim3A = vector.shape_cast %reduce_max3A_2 : vector<1000xf32> to vector<1000x1xf32>
    %sub3A = vector.broadcast %broadcast_in_dim3A : vector<1000x1xf32> to vector<1000x32xf32>
    %sub3A_3 = arith.subf %get3A_1, %sub3A : vector<1000x32xf32>
    %exp3A = math.exp %sub3A_3 : vector<1000x32xf32>
    %sub3A_4 = vector.broadcast %broadcast_in_dim3A : vector<1000x1xf32> to vector<1000x32xf32>
    %sub3A_5 = arith.subf %get3A_1, %sub3A_4 : vector<1000x32xf32>
    %reduce_sum3A = arith.constant dense<0.000000e+00> : vector<1000xf32>
    %reduce_sum3A_6 = vector.multi_reduction <add>, %exp3A, %reduce_sum3A [1] : vector<1000x32xf32> to vector<1000xf32>
    %broadcast_in_dim3A_7 = vector.shape_cast %reduce_sum3A_6 : vector<1000xf32> to vector<1000x1xf32>
    %log3A = math.log %broadcast_in_dim3A_7 : vector<1000x1xf32>
    %sub3A_8 = vector.broadcast %log3A : vector<1000x1xf32> to vector<1000x32xf32>
    %sub3A_9 = arith.subf %sub3A_5, %sub3A_8 : vector<1000x32xf32>
    %swap3A = arith.constant 0 : index
    %swap3A_10 = arith.constant 0 : index
    %swap3A_11 = vector.load %arg2[%swap3A, %swap3A_10] : memref<1000x32xf32, #tpu.memory_space<vmem>>, vector<1000x32xf32>
    tpu.vector_store %arg2[%swap3A, %swap3A_10], %sub3A_9 {strides = array<i32>} : memref<1000x32xf32, #tpu.memory_space<vmem>>, vector<1000x32xf32>,
    return
  }
  func.func @transform_0(%arg0: i32) -> (i32, i32) {
    %c0_i32 = arith.constant 0 : i32
    %c0_i32_0 = arith.constant 0 : i32
    return %arg0, %c0_i32 : i32, i32
  }
  func.func @transform_1(%arg0: i32) -> (i32, i32) {
    %c0_i32 = arith.constant 0 : i32
    %c0_i32_0 = arith.constant 0 : i32
    return %arg0, %c0_i32 : i32, i32
  }
}

</mosaic_0001>

<sc_bundles>
// kernel: kernel.5.cloned.1.call-start
scs
__scs_entry_jumppad:
0x0: {  	(pc) =	sbr.rel $0x88, $3  }
0x1: {  	(tag) =	ssettag $0x0;
	lr =	simm.s32 $0x1  }
0x2: {  	[smem:$0x3F9B] =	sst lr;
	_ =	strace $0xD0000000  }
0x3: {  	_ = 	snop  }
0x4: {  	_ = 	snop  }
0x5: {  	_ = 	snop  }
0x6: {  	_ = 	snop  }
0x7: {  	_ = 	snop  }
__scs_overlays_trampoline_lowered:
0x8: {  	[smem:$0x3FAA] =	sst s0  }
0x9: {  	[smem:$0x3FAB] =	sst s1  }
0xa: {  	[smem:$0x3FAC] =	sst s2  }
0xb: {  	[smem:$0x3FAD] =	sst s3  }
0xc: {  	[smem:$0x3FAE] =	sst s4  }
0xd: {  	[smem:$0x3FAF] =	sst s5  }
0xe: {  	[smem:$0x3FB0] =	sst s6  }
0xf: {  	[smem:$0x3FB1] =	sst s7  }
0x10: {  	[smem:$0x3FB2] =	sst s8  }
0x11: {  	[smem:$0x3FB3] =	sst s9;
	s0 =	simm.s32 @!p0 $0x0  }
0x12: {  	s1 =	sld [smem:$0x3F99];
	s0 =	simm.s32 @p0 $0x1  }
0x13: {  	[smem:$0x3FB4] =	sst s0;
	s0 =	simm.s32 @!p1 $0x0  }
0x14: {  	s2 =	sld [smem:$0x3F98];
	s0 =	simm.s32 @p1 $0x1  }
0x15: {  	[smem:$0x3FB5] =	sst s0;
	s0 =	simm.s32 @!p2 $0x0  }
0x16: {  	s3 =	sld [smem:$0x3FDB];
	s0 =	simm.s32 @p2 $0x1  }
0x17: {  	s4 =	simm.s32 $0x1BF5;
	[smem:$0x3FB7] =	sst s0  }
0x18: {  	s0 =	sld [smem:$0x3F9A];
	_ =	swait.ge [sflag:s4], $0x0  }
0x19: {  	s7 =	sld [smem:$0x3F9B]  }
0x1a: {  	s8 =	sadd.s32 $0xFFFFE003, lr  }
0x1b: {  	s9 =	sadd.s32 $0xFFFFFEF7, lr;
	s5 =	simm.s32 $0xFFFFFFFF;
	p2 =	slt.u32 s8, $0xFFFFF086  }
0x1c: {  	p1 =	slt.u32 s9, $0xF7A;
	s5 =	simm.s32 @!p2 $0x0  }
0x1d: {  	s5 =	simm.s32 @p1 $0x1;
	p0 =	seq.s32 s7, s2  }
0x1e: {  	s7 =	smul.u32 @!p0 $0xF7A, s2;
	p2 =	seq.s32 @!p0 s5, $0x0  }
0x1f: {  	s9 =	smul.u32 $0xF7A, s1;
	s8 =	simm.s32 @!p0 $0x1BF5;
	p2 =	por !p2, p0  }
0x20: {  	[sflag:s8] =	ssyncset.s32 @!p0 $0xFFFFF086;
	s6 =	sadd.s32 @!p0 s3, s7;
	s7 =	simm.s32 @!p0 $0x108  }
0x21: {  	s3 =	sadd.s32 s3, s9;
	s6 =	sadd.s32 @!p0 $0x88, s6;
	s7 =	simm.s32 @p2 $0x1082  }
0x22: {  	[simem:s7], [sflag:s8] =	dma.local @!p0 [hbm:s6], $0xF7A  }
0x23: {  	s9 =	sor.u32 $0xD0000000, s2;
	s6 =	simm.s32 $0x108;
	_ =	swait.ge @!p0 [sflag:s8], $0x0  }
0x24: {  	s3 =	sadd.s32 $0x88, s3;
	s6 =	simm.s32 @!p1 $0x1082;
	[sflag:s4] =	ssyncset.s32 $0xFFFFF086  }
0x25: {  	[simem:s6], [sflag:s4] =	dma.local [hbm:s3], $0xF7A  }
0x26: {  	[smem:$0x3F9B] =	sst s1;
	(tag) =	ssettag s2;
	_ =	strace s9  }
0x27: {  	s1 =	sld [smem:$0x3FAB]  }
0x28: {  	s2 =	sld [smem:$0x3FAC]  }
0x29: {  	s4 =	sld [smem:$0x3FAE]  }
0x2a: {  	p0 =	seq.s32 s5, $0x0;
	s5 =	sld [smem:$0x3FAF]  }
0x2b: {  	s6 =	sld [smem:$0x3FB0]  }
0x2c: {  	s7 =	sld [smem:$0x3FB1]  }
0x2d: {  	s3 =	simm.s32 $0x108;
	s8 =	sld [smem:$0x3FB2]  }
0x2e: {  	s3 =	simm.s32 @!p0 $0x1082;
	s9 =	sld [smem:$0x3FB3]  }
0x2f: {  	lr =	sadd.s32 s0, s3;
	s0 =	sld [smem:$0x3FAA]  }
0x30: {  	s3 =	sld [smem:$0x3FAD]  }
0x31: {  	[smem:$0x3FB6] =	sst s10  }
0x32: {  	s10 =	sld [smem:$0x3FB4];
	_ =	sdelay $0x3  }
0x33: {  	p0 =	seq.s32 s10, $0x1;
	s10 =	sld [smem:$0x3FB6];
	_ =	sdelay $0x3  }
0x34: {  	[smem:$0x3FB6] =	sst s10  }
0x35: {  	s10 =	sld [smem:$0x3FB5];
	_ =	sdelay $0x3  }
0x36: {  	p1 =	seq.s32 s10, $0x1;
	s10 =	sld [smem:$0x3FB6];
	_ =	sdelay $0x3  }
0x37: {  	[smem:$0x3FB6] =	sst s10  }
0x38: {  	s10 =	sld [smem:$0x3FB7]  }
0x39: {  	_ = 	snop;
	(pc) =	sbr.ind lr, $3  }
0x3a: {  	_ = 	snop  }
0x3b: {  	_ = 	snop  }
0x3c: {  	p2 =	seq.s32 s10, $0x1;
	s10 =	sld [smem:$0x3FB6]  }
0x3d: {  	_ =	shalt  }
0x3e: {  	_ =	shalt  }
0x3f: {  	_ =	shalt  }
0x40: {  	_ =	shalt  }
0x41: {  	_ =	shalt  }
0x42: {  	_ =	shalt  }
0x43: {  	_ =	shalt  }
0x44: {  	_ =	shalt  }
0x45: {  	_ =	shalt  }
0x46: {  	_ =	shalt  }
0x47: {  	_ =	shalt  }
0x48: {  	_ =	shalt  }
0x49: {  	_ =	shalt  }
0x4a: {  	_ =	shalt  }
0x4b: {  	_ =	shalt  }
0x4c: {  	_ =	shalt  }
0x4d: {  	_ =	shalt  }
0x4e: {  	_ =	shalt  }
0x4f: {  	_ =	shalt  }
0x50: {  	_ =	shalt  }
0x51: {  	_ =	shalt  }
0x52: {  	_ =	shalt  }
0x53: {  	_ =	shalt  }
0x54: {  	_ =	shalt  }
0x55: {  	_ =	shalt  }
0x56: {  	_ =	shalt  }
0x57: {  	_ =	shalt  }
0x58: {  	_ =	shalt  }
0x59: {  	_ =	shalt  }
0x5a: {  	_ =	shalt  }
0x5b: {  	_ =	shalt  }
0x5c: {  	_ =	shalt  }
0x5d: {  	_ =	shalt  }
0x5e: {  	_ =	shalt  }
0x5f: {  	_ =	shalt  }
0x60: {  	_ =	shalt  }
0x61: {  	_ =	shalt  }
0x62: {  	_ =	shalt  }
0x63: {  	_ =	shalt  }
0x64: {  	_ =	shalt  }
0x65: {  	_ =	shalt  }
0x66: {  	_ =	shalt  }
0x67: {  	_ =	shalt  }
0x68: {  	_ =	shalt  }
0x69: {  	_ =	shalt  }
0x6a: {  	_ =	shalt  }
0x6b: {  	_ =	shalt  }
0x6c: {  	_ =	shalt  }
0x6d: {  	_ =	shalt  }
0x6e: {  	_ =	shalt  }
0x6f: {  	_ =	shalt  }
0x70: {  	_ =	shalt  }
0x71: {  	_ =	shalt  }
0x72: {  	_ =	shalt  }
0x73: {  	_ =	shalt  }
0x74: {  	_ =	shalt  }
0x75: {  	_ =	shalt  }
0x76: {  	_ =	shalt  }
0x77: {  	_ =	shalt  }
0x78: {  	_ =	shalt  }
0x79: {  	_ =	shalt  }
0x7a: {  	_ =	shalt  }
0x7b: {  	_ =	shalt  }
0x7c: {  	_ =	shalt  }
0x7d: {  	_ =	shalt  }
0x7e: {  	_ =	shalt  }
0x7f: {  	_ =	shalt  }
0x80: {  	_ =	shalt  }
0x81: {  	_ =	shalt  }
0x82: {  	_ =	shalt  }
0x83: {  	_ =	shalt  }
0x84: {  	_ =	shalt  }
0x85: {  	_ =	shalt  }
0x86: {  	_ =	shalt  }
0x87: {  	_ =	shalt  }
.Lfunc_end0:
.L_simem_size_0:
called_computation_lowered:
.L_overlay_start_0:
0x88: {  	s2 =	sld [smem:$0x3FD9]  }
0x89: {  	s3 =	sld [smem:$0x3FFE];
	_ =	sdelay $0x1  }
0x8a: {  	s1 =	srdreg.scid  }
0x8b: {  	s0 =	sand.u32 $0x1, s1  }
0x8c: {  	s17 =	sshll.u32 s0, $0xA;
	s2 =	sadd.s32 s3, s2  }
0x8d: {  	s2 =	sadd.s32 s2, s17  }
0x8e: {  	[smem:$0x3FC2] =	sst s2  }
0x8f: {  	_ = 	snop  }
0x90: {  	s2 =	sld [smem:$0x3FD0];
	(tm) =	ssettm $0x1  }
0x91: {  	s18 =	sld [smem:$0x3FFB];
	_ =	sdelay $0x3  }
0x92: {  	_ =	strace s18  }
0x93: {  	s3 =	sld [smem:$0x3FFC];
	_ =	sdelay $0x3  }
0x94: {  	_ =	strace s3  }
0x95: {  	s3 =	sld [smem:$0x3FFD];
	_ =	sdelay $0x3  }
0x96: {  	_ =	strace s3  }
0x97: {  	_ =	strace $0x8FFFFFFF  }
0x98: {  	s19 =	sld [smem:$0x3FDB];
	_ =	sdelay $0x1  }
0x99: {  	s4 =	simm.s32 $_scs_section_size  }
0x9a: {  	s5 =	simm.s32 $_size__tile_overlayer_lowered;
	s6 =	simm.s32 $_tile_overlayer_lowered  }
0x9b: {  	s22 =	simm.s32 $0x1BFF;
	s21 =	sshll.u32 s6, $0x1;
	s3 =	sadd.s32 s4, s19  }
0x9c: {  	s7 =	simm.s32 $0x0;
	s20 =	sshll.u32 s5, $0x1;
	s5 =	sadd.s32 s21, s3  }
0x9d: {  	[timem:s7], [sflag:s22] =	dma.local [hbm:s5], s20  }
0x9e: {  	_ =	swait.ge [sflag:s22], s20  }
0x9f: {  	s4 =	ssub.s32 $0x0, s20;
	[sflag:s22] =	ssyncset.done $0x0  }
0xa0: {  	[sflag:s22] =	ssyncadd.s32 s4;
	_ =	sdelay $0x1  }
0xa1: {  	s23 =	simm.s32 $0x1B8B  }
0xa2: {  	_ =	swait.ge [sflag:s23], $0x1  }
0xa3: {  	[sflag:s23] =	ssyncset.done $0x0  }
0xa4: {  	s25 =	simm.s32 $0x1B8E;
	s24 =	sld [smem:$0x3FFE];
	[sflag:s23] =	ssyncadd.s32 $0xFFFFFFFF  }
0xa5: {  	s26 =	simm.s32 $execute0_lowered;
	[smem:$0x3FD2] =	sst s25  }
0xa6: {  	s5 =	sshll.u32 s26, $0x1;
	_ =	strace $0x80000046;
	[dreg:$0x1] =	wrdreg $0xFFFFFFFF  }
0xa7: {  	s28 =	simm.s32 $_size_execute0_lowered;
	s3 =	sadd.s32 s3, s5;
	[dreg:$0x0] =	wrdreg $0x0  }
0xa8: {  	s5 =	sshll.u32 s28, $0x1;
	[dreg:$0x2] =	wrdreg s3  }
0xa9: {  	[dreg:$0x3] =	wrdreg s5  }
0xaa: {  	[dreg:$0x4] =	wrdreg $0xC0  }
0xab: {  	_ =	task [dreg:s7], $0x5FFFF  }
0xac: {  	[dreg:$0x1] =	wrdreg $0xFFFFFFFF  }
0xad: {  	[dreg:$0x0] =	wrdreg $0x60  }
0xae: {  	[dreg:$0x2] =	wrdreg s2  }
0xaf: {  	[dreg:$0x3] =	wrdreg s24  }
0xb0: {  	[dreg:$0x4] =	wrdreg $0x27800  }
0xb1: {  	[dreg:$0x5] =	wrdreg $0x0  }
0xb2: {  	[dreg:$0x6] =	wrdreg $0x9  }
0xb3: {  	_ =	task.clear_ibuf [dreg:s7], $0x7FFFF;
	_ =	strace $0x90000046  }
0xb4: {  	s29 =	simm.s32 $0x9;
	_ =	strace $0x80000048  }
0xb5: {  	_ =	swait.ge [sflag:s29], $0x1  }
0xb6: {  	[sflag:s29] =	ssyncadd.s32 $0xFFFFFFFF  }
0xb7: {  	_ =	strace $0x90000048  }
0xb8: {  	_ =	sfence  }
0xb9: {  	s30 =	sld [smem:$0x0];
	_ =	sdelay $0x2  }
0xba: {  	s31 =	sshll.u32 s1, $0xD;
	s1 =	sshrl.u32 s1, $0x2  }
0xbb: {  	s3 =	sand.u32 $0x4000, s31;
	s1 =	sadd.s32 s1, s30  }
0xbc: {  	s0 =	sor.u32 s3, s0;
	s1 =	sshll.u32 s1, $0x11  }
0xbd: {  	s0 =	sor.u32 s1, s0  }
0xbe: {  	s0 =	sadd.s32 $0x8F2B, s0  }
0xbf: {  	[sflag:s0] =	ssyncadd.remote.s32 $0x1  }
0xc0: {  	_ =	sfence.sel $0xFFFF  }
0xc1: {  	[dreg:$0x0] =	wrdreg $0xFFFFFFFF;
	(pc) =	sbr.abs _section_cstart, $3  }
0xc2: {  	[dreg:$0x1] =	wrdreg $0xFFFFFFFF  }
0xc3: {  	_ =	task.clear_ibuf [dreg:s7], $0x2FFFF;
	_ =	strace $0x9FFFFFFF  }
0xc4: {  	(tm) =	ssettm $0x7FFFFFFF  }
0xc5: {  	_ =	shalt  }
tec
execute0_lowered:
.L_overlay_start_1:
0x0: {  	(tag) =	ssettag $0x1  }
0x1: {  	s0 =	rddreg [dreg:$0x0]  }
0x2: {  	s1 =	rddreg [dreg:$0x1]  }
0x3: {  	s2 =	rddreg [dreg:$0x2];
	s7 =	stileid.u32  }
0x4: {  	s4 =	srdreg.scid;
	s3 =	rddreg [dreg:$0x3]  }
0x5: {  	s12 =	simm.s32 $0xED00;
	s13 =	simm.s32 $0x5;
	s14 =	simm.s32 $0x4F00  }
0x6: {  	s15 =	simm.s32 $0x9E00;
	s16 =	simm.s32 $0x16380;
	s17 =	simm.s32 $0x80  }
0x7: {  	s18 =	simm.s32 $0x18B00;
	s19 =	simm.s32 $0x3;
	s20 =	simm.s32 $0x1  }
0x8: {  	s21 =	simm.s32 $0x4F80;
	s22 =	simm.s32 $0x19300;
	s23 =	simm.s32 $0x2  }
0x9: {  	s24 =	simm.s32 $0x4;
	s25 =	simm.s32 $0xEC80;
	s9 =	smul.u32 $0x2780, s7  }
0xa: {  	s5 =	sand.u32 $0x1, s4;
	s4 =	simm.s32 $0x0;
	s7 =	smul.u32 $0x9E0, s7  }
0xb: {  	s6 =	smul.u32 $0x27800, s5;
	[smem:$0x7FF] =	sst s4;
	s5 =	ssub.s32 $0x2, s5  }
0xc: {  	s26 =	simm.s32 $0x0;
	_ =	strace $0x80000047;
	s8 =	sshrl.u32 s5, $0x1  }
0xd: {  	s7 =	sadd.s32 s7, s1;
	s6 =	sadd.s32 s9, s6;
	s11 =	ssub.s32 s5, s8  }
0xe: {  	s8 =	sadd.s32 s9, s2;
	s9 =	sadd.s32 s9, s3;
	s6 =	sshrl.u32 s6, $0x3  }
0xf: {  	s11 =	smax.u32 s11, $0x1;
	s1 =	sadd.s32 s6, s1;
	s5 =	sadd.s32 s0, s6  }
0x10: {  	v0 =	vimm.f32 $0.0e+00;
	v1 =	vimm.f32 $1.000000000e+00;
	s6 =	sadd.s32 $0xA800, s7;
	s7 =	sadd.s32 $0xA00, s7;
	s10 =	sadd.s32 $0x14600, s1  }
.LBB2_1:
0x11: {  	[tilespmem:s12], [sflag:$0x5] =	stream.linear.gather [hbm4b:s5+s4], $0x2780, $0x38;
	[tilespmem:$0x19B00] =	vst v63  }
0x12: {  	_ =	swait.ge [sflag:s13], $0x2780  }
0x13: {  	[sflag:s13] =	ssyncset.done $0x0  }
0x14: {  	[sflag:s13] =	ssyncadd.s32 $0xFFFFD880  }
0x15: {  	[tilespmem:s14], [sflag:$0x5] =	stream.linear.gather [hbm4b:s6+s4], $0x4F00, $0x38;
	[tilespmem:$0x19B00] =	vst v63  }
0x16: {  	_ =	swait.ge [sflag:s13], $0x4F00  }
0x17: {  	[sflag:s13] =	ssyncset.done $0x0  }
0x18: {  	[sflag:s13] =	ssyncadd.s32 $0xFFFFB100  }
0x19: {  	[tilespmem:s15], [sflag:$0x5] =	stream.linear.gather [hbm4b:s7+s4], $0x4F00, $0x38;
	[tilespmem:$0x19B00] =	vst v63  }
0x1a: {  	_ =	swait.ge [sflag:s13], $0x4F00  }
0x1b: {  	[sflag:s13] =	ssyncset.done $0x0  }
0x1c: {  	s0 =	simm.s32 $0x0;
	[sflag:s13] =	ssyncadd.s32 $0xFFFFB100  }
0x1d: {  	v3 =	vld [tilespmem:s0+$0xED30]  }
0x1e: {  	v4 =	vld [tilespmem:s0+$0xED00]  }
0x1f: {  	v5 =	vld [tilespmem:s0+$0xED10]  }
0x20: {  	v2 =	vld [tilespmem:s0+$0xED20]  }
0x21: {  	s1 =	simm.s32 $0x100  }
.LBB2_2:
0x22: {  	s28 =	sshra.s32 s1, $0x2;
	p0 =	sne.s32 s1, $0x9D00;
	s1 =	sadd.s32 $0x100, s1;
	v6 =	vmul.f32 $1.000000010e-01, v3  }
.Ltmp0:
0x23: {  	v3 =	vld [tilespmem:s28+$0xED30];
	v7 =	vmul.f32 $1.000000010e-01, v4;
	(pc) =	sbr.rel @p0 .LBB2_2-.Ltmp0, $4  }
0x24: {  	v4 =	vld [tilespmem:s28+$0xED00];
	v8 =	vmul.f32 $1.000000010e-01, v5;
	[tilespmem:s0+$0x13C30] =	vst v6  }
0x25: {  	v5 =	vld [tilespmem:s28+$0xED10];
	[tilespmem:s0+$0x13C00] =	vst v7;
	v6 =	vmul.f32 $1.000000010e-01, v2  }
0x26: {  	v2 =	vld [tilespmem:s28+$0xED20];
	[tilespmem:s0+$0x13C10] =	vst v8  }
0x27: {  	[tilespmem:s0+$0x13C20] =	vst v6;
	s0 =	smov.u32 s28  }
0x28: {  	v3 =	vmul.f32 $1.000000010e-01, v3  }
0x29: {  	v4 =	vmul.f32 $1.000000010e-01, v4  }
0x2a: {  	v5 =	vmul.f32 $1.000000010e-01, v5;
	[tilespmem:s0+$0x13C30] =	vst v3  }
0x2b: {  	[tilespmem:s0+$0x13C00] =	vst v4;
	v2 =	vmul.f32 $1.000000010e-01, v2  }
0x2c: {  	[tilespmem:s0+$0x13C10] =	vst v5  }
0x2d: {  	s1 =	simm.s32 $0x100;
	[tilespmem:s0+$0x13C20] =	vst v2;
	s0 =	simm.s32 $0x0  }
.LBB2_4:
0x2e: {  	p0 =	sne.s32 s1, $0x9D00;
	[tilespmem:s0+$0x163B0] =	vst v0;
	s28 =	smov.u32 s1;
	s1 =	sadd.s32 $0x100, s1  }
.Ltmp1:
0x2f: {  	[tilespmem:s0+$0x163A0] =	vst v0;
	(pc) =	sbr.rel @p0 .LBB2_4-.Ltmp1, $3  }
0x30: {  	[tilespmem:s0+$0x16380] =	vst v0  }
0x31: {  	[tilespmem:s0+$0x16390] =	vst v0;
	_ =	sdelay $0x1  }
0x32: {  	s0 =	sshra.s32 s28, $0x2  }
0x33: {  	[tilespmem:s0+$0x163B0] =	vst v0  }
0x34: {  	[tilespmem:s0+$0x163A0] =	vst v0  }
0x35: {  	[tilespmem:s0+$0x16380] =	vst v0  }
0x36: {  	[tilespmem:s0+$0x16390] =	vst v0;
	s1 =	simm.s32 $0x100;
	s0 =	simm.s32 $0x0  }
.LBB2_6:
0x37: {  	p0 =	sne.s32 s1, $0x1F00;
	[tilespmem:s0+$0x18B30] =	vst v1;
	s28 =	smov.u32 s1;
	s1 =	sadd.s32 $0x100, s1  }
.Ltmp2:
0x38: {  	[tilespmem:s0+$0x18B20] =	vst v1;
	(pc) =	sbr.rel @p0 .LBB2_6-.Ltmp2, $3  }
0x39: {  	[tilespmem:s0+$0x18B00] =	vst v1  }
0x3a: {  	[tilespmem:s0+$0x18B10] =	vst v1;
	_ =	sdelay $0x1  }
0x3b: {  	s0 =	sshra.s32 s28, $0x2  }
0x3c: {  	[tilespmem:s0+$0x18B30] =	vst v1  }
0x3d: {  	[tilespmem:s0+$0x18B20] =	vst v1  }
0x3e: {  	[tilespmem:s0+$0x18B00] =	vst v1  }
0x3f: {  	[tilespmem:s0+$0x18B10] =	vst v1  }
0x40: {  	[spmem:s8] =	stream.linear.scatter [tilespmem:s16], [sflag:$0x5], $0x2780, $0x38;
	[tilespmem:$0x19B00] =	vst v63  }
0x41: {  	_ =	swait.ge [sflag:s13], $0x2780  }
0x42: {  	[sflag:s13] =	ssyncset.done $0x0  }
0x43: {  	[sflag:s13] =	ssyncadd.s32 $0xFFFFD880  }
0x44: {  	[spmem:s9] =	stream.linear.scatter [tilespmem:s16], [sflag:$0x5], $0x2780, $0x38;
	[tilespmem:$0x19B00] =	vst v63  }
0x45: {  	_ =	swait.ge [sflag:s13], $0x2780  }
0x46: {  	[sflag:s13] =	ssyncset.done $0x0  }
0x47: {  	[sflag:s13] =	ssyncadd.s32 $0xFFFFD880  }
0x48: {  	s0 =	simm.s32 $0x0;
	[bflag:$0x0] =	sbarrier.arrive $0xFFFF  }
.LBB2_8:
0x49: {  	p0 =	sne.s32 s0, $0x13A00  }
.Ltmp3:
0x4a: {  	_ = 	snop;
	(pc) =	sbr.rel @p0 .LBB2_8-.Ltmp3, $4  }
0x4b: {  	_ = 	snop  }
0x4c: {  	s1 =	sshra.s32 s0, $0x2  }
0x4d: {  	s0 =	sadd.s32 $0x200, s0;
	s1 =	sadd.s32 $0x9E00, s1  }
0x4e: {  	[spmem:s2] =	stream.indirect.scatter.add.f32 [tilespmem:s18], [sflag:$0x3], $0x10, s1, s17, $0xb8;
	[tilespmem:$0x19B00] =	vst v63  }
0x4f: {  	_ =	swait.ge [sflag:s19], $0x800  }
0x50: {  	s0 =	simm.s32 $0x9D;
	[sflag:s19] =	ssyncset.done $0x0  }
.LBB2_10:
0x51: {  	p0 =	sne.s32 s0, $0x1;
	s0 =	sadd.s32 $0xFFFFFFFF, s0;
	[sflag:s19] =	ssyncadd.s32 $0xFFFFF800  }
.Ltmp4:
0x52: {  	(pc) =	sbr.rel @p0 .LBB2_10-.Ltmp4, $3  }
0x53: {  	_ =	sdelay $0x1  }
0x54: {  	_ =	swait.ge [sflag:s19], $0x800  }
0x55: {  	[sflag:s19] =	ssyncset.done $0x0  }
0x56: {  	[sflag:s19] =	ssyncadd.s32 $0xFFFFF800  }
0x57: {  	[bflag:$0x0] =	sbarrier.arrive $0xFFFF  }
0x58: {  	[tilespmem:s16], [sflag:$0x5] =	stream.linear.gather [spmem:s8], $0x2780, $0x38;
	[tilespmem:$0x19B00] =	vst v63  }
0x59: {  	_ =	swait.ge [sflag:s13], $0x2780  }
0x5a: {  	[sflag:s13] =	ssyncset.done $0x0  }
0x5b: {  	s28 =	simm.s32 $0x0;
	[sflag:s13] =	ssyncadd.s32 $0xFFFFD880  }
0x5c: {  	v2 =	vld [tilespmem:s28+$0x163B0];
	_ =	sdelay $0x4  }
0x5d: {  	v2 =	vadd.f32 $1.000000000e+00, v2  }
0x5e: {  	v3 =	vld [tilespmem:s28+$0x16380]  }
0x5f: {  	v4 =	vshra.s32 v2, $0x1;
	v6 =	vmul.f32 $5.000000000e-01, v2  }
0x60: {  	v5 =	vld [tilespmem:s28+$0x16390];
	v4 =	vsub.s32 $0x5F3759DF, v4  }
0x61: {  	v7 =	vld [tilespmem:s28+$0x163A0];
	v2 =	vmul.f32 v4, v6;
	_ =	sdelay $0x1  }
0x62: {  	v3 =	vadd.f32 $1.000000000e+00, v3;
	v2 =	vmul.f32 v4, v2;
	_ =	sdelay $0x1  }
0x63: {  	v9 =	vshra.s32 v3, $0x1;
	v8 =	vsub.f32 $1.500000000e+00, v2;
	v2 =	vmul.f32 $5.000000000e-01, v3  }
0x64: {  	v9 =	vsub.s32 $0x5F3759DF, v9;
	v3 =	vadd.f32 $1.000000000e+00, v5;
	v5 =	vadd.f32 $1.000000000e+00, v7  }
0x65: {  	v8 =	vmul.f32 v4, v8;
	v7 =	vmul.f32 v9, v2  }
0x66: {  	s29 =	simm.s32 $0x40;
	v10 =	vshra.s32 v3, $0x1;
	v4 =	vmul.f32 $5.000000000e-01, v3;
	v3 =	vmul.f32 $5.000000000e-01, v5  }
0x67: {  	v12 =	vld [tilespmem:s29+$0x163B0];
	v5 =	vshra.s32 v5, $0x1;
	v11 =	vmul.f32 v8, v6;
	v7 =	vmul.f32 v9, v7  }
0x68: {  	v13 =	vsub.s32 $0x5F3759DF, v10;
	v15 =	vsub.s32 $0x5F3759DF, v5  }
0x69: {  	v10 =	vmul.f32 v13, v4;
	v11 =	vmul.f32 v11, v8;
	v5 =	vsub.f32 $1.500000000e+00, v7  }
0x6a: {  	v14 =	vmul.f32 v15, v3  }
0x6b: {  	v7 =	vld [tilespmem:s29+$0x163A0];
	v10 =	vmul.f32 v13, v10;
	v11 =	vsub.f32 $1.500000000e+00, v11;
	v5 =	vmul.f32 v9, v5  }
0x6c: {  	v16 =	vld [tilespmem:s29+$0x16380];
	v9 =	vadd.f32 $1.000000000e+00, v12;
	v12 =	vmul.f32 v15, v14  }
0x6d: {  	v14 =	vsub.f32 $1.500000000e+00, v10;
	v10 =	vmul.f32 v11, v8;
	v11 =	vmul.f32 v5, v2  }
0x6e: {  	v17 =	vshra.s32 v9, $0x1;
	v9 =	vmul.f32 $5.000000000e-01, v9;
	v19 =	vsub.f32 $1.500000000e+00, v12  }
0x6f: {  	v12 =	vmul.f32 v13, v14;
	v17 =	vsub.s32 $0x5F3759DF, v17;
	v6 =	vmul.f32 v10, v6  }
0x70: {  	v8 =	vld [tilespmem:s29+$0x16390];
	v18 =	vadd.f32 $1.000000000e+00, v7;
	v20 =	vmul.f32 v11, v5;
	v7 =	vmul.f32 v17, v9  }
0x71: {  	v11 =	vadd.f32 $1.000000000e+00, v16;
	v23 =	vmul.f32 v12, v4;
	v15 =	vmul.f32 v15, v19  }
0x72: {  	v21 =	vmul.f32 v6, v10;
	v13 =	vmul.f32 v17, v7  }
0x73: {  	v6 =	vshra.s32 v18, $0x1;
	v14 =	vshra.s32 v11, $0x1;
	v7 =	vmul.f32 $5.000000000e-01, v11  }
0x74: {  	v25 =	vmul.f32 v23, v12;
	v23 =	vmul.f32 v15, v3;
	v13 =	vsub.f32 $1.500000000e+00, v13  }
0x75: {  	v11 =	vadd.f32 $1.000000000e+00, v8;
	v14 =	vsub.s32 $0x5F3759DF, v14;
	v8 =	vmul.f32 $5.000000000e-01, v18  }
0x76: {  	v6 =	vsub.s32 $0x5F3759DF, v6;
	v18 =	vmul.f32 v14, v7;
	v16 =	vmul.f32 v17, v13  }
0x77: {  	v19 =	vsub.f32 $1.500000000e+00, v21;
	v22 =	vshra.s32 v11, $0x1;
	v11 =	vmul.f32 $5.000000000e-01, v11  }
0x78: {  	v18 =	vmul.f32 v14, v18;
	v13 =	vsub.s32 $0x5F3759DF, v22;
	v21 =	vmul.f32 v16, v9  }
0x79: {  	v17 =	vsub.f32 $1.500000000e+00, v20;
	v20 =	vmul.f32 v6, v8;
	v24 =	vmul.f32 v13, v11  }
0x7a: {  	s1 =	simm.s32 $0x200;
	s31 =	simm.s32 $0x0;
	s30 =	simm.s32 $0x40;
	v18 =	vsub.f32 $1.500000000e+00, v18;
	v22 =	vmul.f32 v21, v16;
	v21 =	vsub.f32 $1.500000000e+00, v25  }
.LBB2_12:
0x7b: {  	s0 =	sshra.s32 s1, $0x2;
	p0 =	sne.s32 s1, $0x9D00;
	s1 =	sadd.s32 $0x100, s1;
	v23 =	vmul.f32 v23, v15;
	v10 =	vmul.f32 v19, v10  }
0x7c: {  	v20 =	vmul.f32 v6, v20;
	v19 =	vld [tilespmem:s0+$0x163B0];
	v24 =	vmul.f32 v13, v24;
	v22 =	vsub.f32 $1.500000000e+00, v22  }
0x7d: {  	v14 =	vmul.f32 v14, v18;
	v18 =	vmul.f32 v21, v12;
	v25 =	vld [tilespmem:s0+$0x163A0];
	v12 =	vsub.f32 $1.500000000e+00, v23;
	[tilespmem:s31+$0x114B0] =	vst v10  }
0x7e: {  	v21 =	vld [tilespmem:s0+$0x16380];
	v23 =	vsub.f32 $1.500000000e+00, v24;
	v10 =	vmul.f32 v22, v16;
	v16 =	vmul.f32 v17, v5  }
0x7f: {  	v22 =	vmul.f32 v14, v7;
	v5 =	vmov v14;
	v17 =	vld [tilespmem:s0+$0x16390];
	v24 =	vmul.f32 v12, v15  }
0x80: {  	v14 =	vmul.f32 v18, v4;
	v4 =	vmovc v11;
	v15 =	vsub.f32 $1.500000000e+00, v20;
	v9 =	vmul.f32 v10, v9  }
0x81: {  	v20 =	vmul.f32 v16, v2;
	v2 =	vmovc v7;
	v11 =	vadd.f32 $1.000000000e+00, v19;
	v19 =	vmul.f32 v22, v5  }
0x82: {  	v7 =	vmul.f32 v24, v3;
	v3 =	vmovc v8;
	v22 =	vadd.f32 $1.000000000e+00, v25;
	v25 =	vmul.f32 v9, v10  }
0x83: {  	v12 =	vmul.f32 v13, v23;
	v13 =	vmul.f32 v20, v16;
	v8 =	vadd.f32 $1.000000000e+00, v21  }
0x84: {  	v20 =	vshra.s32 v11, $0x1;
	v9 =	vmul.f32 $5.000000000e-01, v11;
	v11 =	vmul.f32 v7, v24  }
0x85: {  	v14 =	vmul.f32 v14, v18;
	v7 =	vshra.s32 v22, $0x1;
	v20 =	vsub.s32 $0x5F3759DF, v20  }
0x86: {  	v13 =	vsub.f32 $1.500000000e+00, v13;
	v21 =	vsub.s32 $0x5F3759DF, v7;
	v23 =	vmul.f32 v20, v9  }
0x87: {  	v27 =	vsub.f32 $1.500000000e+00, v14;
	v26 =	vshra.s32 v8, $0x1;
	v7 =	vmul.f32 $5.000000000e-01, v8  }
0x88: {  	v14 =	vsub.s32 $0x5F3759DF, v26;
	v13 =	vmul.f32 v13, v16;
	v23 =	vmul.f32 v20, v23  }
0x89: {  	v8 =	vmul.f32 $5.000000000e-01, v22;
	v16 =	vadd.f32 $1.000000000e+00, v17;
	v17 =	vmul.f32 v27, v18  }
0x8a: {  	v18 =	vmul.f32 v14, v7;
	v22 =	vsub.f32 $1.500000000e+00, v23;
	[tilespmem:s31+$0x11480] =	vst v13;
	v13 =	vsub.f32 $1.500000000e+00, v11  }
0x8b: {  	v26 =	vmul.f32 v12, v4;
	v23 =	vshra.s32 v16, $0x1;
	v11 =	vmul.f32 $5.000000000e-01, v16;
	[tilespmem:s31+$0x11490] =	vst v17  }
.Ltmp5:
0x8c: {  	v15 =	vmul.f32 v6, v15;
	v6 =	vmovc v21;
	v16 =	vmul.f32 v20, v22;
	v17 =	vsub.f32 $1.500000000e+00, v19;
	(pc) =	sbr.rel @p0 .LBB2_12-.Ltmp5, $4  }
0x8d: {  	v18 =	vmul.f32 v14, v18;
	v19 =	vsub.f32 $1.500000000e+00, v25;
	v21 =	vmul.f32 v13, v24  }
0x8e: {  	v25 =	vmul.f32 v26, v12;
	v13 =	vsub.s32 $0x5F3759DF, v23;
	v22 =	vmul.f32 v16, v9  }
0x8f: {  	v18 =	vsub.f32 $1.500000000e+00, v18;
	v20 =	vmul.f32 v6, v8;
	v23 =	vmul.f32 v15, v3;
	[tilespmem:s31+$0x114A0] =	vst v21;
	s31 =	smov.u32 s30;
	s30 =	smov.u32 s0  }
0x90: {  	v24 =	vmul.f32 v13, v11;
	v22 =	vmul.f32 v22, v16;
	v21 =	vsub.f32 $1.500000000e+00, v25  }
0x91: {  	v23 =	vmul.f32 v23, v15  }
0x92: {  	v10 =	vmul.f32 v19, v10;
	v20 =	vmul.f32 v6, v20  }
0x93: {  	v14 =	vmul.f32 v14, v18;
	v5 =	vmul.f32 v17, v5  }
0x94: {  	v56 =	vmul.f32 v13, v24;
	v22 =	vsub.f32 $1.500000000e+00, v22;
	v12 =	vmul.f32 v21, v12  }
0x95: {  	v57 =	vsub.f32 $1.500000000e+00, v23;
	v58 =	vmul.f32 v14, v7;
	v20 =	vsub.f32 $1.500000000e+00, v20  }
0x96: {  	v2 =	vmul.f32 v5, v2;
	v19 =	vsub.f32 $1.500000000e+00, v56;
	v16 =	vmul.f32 v22, v16  }
0x97: {  	v4 =	vmul.f32 v12, v4;
	v6 =	vmul.f32 v6, v20  }
0x98: {  	v59 =	vmul.f32 v57, v15;
	v60 =	vmul.f32 v13, v19  }
0x99: {  	v17 =	vmul.f32 v58, v14;
	v62 =	vmul.f32 v6, v8  }
0x9a: {  	v2 =	vmul.f32 v2, v5;
	v61 =	vmul.f32 v60, v11  }
0x9b: {  	v9 =	vmul.f32 v16, v9;
	v17 =	vsub.f32 $1.500000000e+00, v17;
	v19 =	vmul.f32 v62, v6  }
0x9c: {  	v3 =	vmul.f32 v59, v3;
	v18 =	vmul.f32 v61, v60  }
0x9d: {  	v4 =	vmul.f32 v4, v12;
	v14 =	vmul.f32 v17, v14;
	v19 =	vsub.f32 $1.500000000e+00, v19  }
0x9e: {  	v2 =	vsub.f32 $1.500000000e+00, v2;
	v3 =	vmul.f32 v3, v59;
	v18 =	vsub.f32 $1.500000000e+00, v18  }
0x9f: {  	v7 =	vmul.f32 v14, v7;
	v6 =	vmul.f32 v19, v6  }
0xa0: {  	v2 =	vmul.f32 v2, v5;
	v13 =	vmul.f32 v18, v60  }
0xa1: {  	v3 =	vsub.f32 $1.500000000e+00, v3;
	v7 =	vmul.f32 v7, v14;
	v8 =	vmul.f32 v6, v8  }
0xa2: {  	v9 =	vmul.f32 v9, v16;
	v4 =	vsub.f32 $1.500000000e+00, v4;
	v5 =	vmul.f32 v13, v11  }
0xa3: {  	[tilespmem:s31+$0x11480] =	vst v2;
	v2 =	vmul.f32 v3, v59;
	v7 =	vsub.f32 $1.500000000e+00, v7;
	v3 =	vmul.f32 v8, v6  }
0xa4: {  	[tilespmem:s31+$0x114B0] =	vst v10;
	v4 =	vmul.f32 v4, v12;
	v9 =	vsub.f32 $1.500000000e+00, v9;
	v5 =	vmul.f32 v5, v13  }
0xa5: {  	[tilespmem:s31+$0x114A0] =	vst v2;
	v2 =	vmul.f32 v7, v14;
	v3 =	vsub.f32 $1.500000000e+00, v3  }
0xa6: {  	[tilespmem:s31+$0x11490] =	vst v4;
	v4 =	vmul.f32 v9, v16;
	v5 =	vsub.f32 $1.500000000e+00, v5  }
0xa7: {  	[tilespmem:s30+$0x11480] =	vst v2;
	v2 =	vmul.f32 v3, v6  }
0xa8: {  	[tilespmem:s30+$0x114B0] =	vst v4;
	v4 =	vmul.f32 v5, v13  }
0xa9: {  	[tilespmem:s30+$0x114A0] =	vst v2  }
0xaa: {  	[tilespmem:s30+$0x11490] =	vst v4  }
0xab: {  	v3 =	vld [tilespmem:s28+$0x114B0]  }
0xac: {  	v6 =	vld [tilespmem:s28+$0xED30]  }
0xad: {  	v7 =	vld [tilespmem:s28+$0x11480]  }
0xae: {  	v8 =	vld [tilespmem:s28+$0xED00]  }
0xaf: {  	v4 =	vld [tilespmem:s28+$0x11490]  }
0xb0: {  	v5 =	vld [tilespmem:s28+$0xED10]  }
0xb1: {  	v2 =	vld [tilespmem:s28+$0x114A0];
	v63 =	vmul.f32 v6, v3  }
0xb2: {  	v6 =	vld [tilespmem:s28+$0xED20]  }
0xb3: {  	s0 =	simm.s32 $0x200;
	v3 =	vld [tilespmem:s29+$0x114B0];
	v7 =	vmul.f32 v8, v7;
	[tilespmem:s28+$0x163B0] =	vst v63  }
.LBB2_14:
0xb4: {  	p0 =	sne.s32 s0, $0x9D00;
	v8 =	vld [tilespmem:s29+$0xED30]  }
0xb5: {  	v9 =	vld [tilespmem:s29+$0x11480];
	[tilespmem:s28+$0x16380] =	vst v7;
	v5 =	vmul.f32 v5, v4  }
0xb6: {  	v7 =	vld [tilespmem:s29+$0xED00]  }
.Ltmp6:
0xb7: {  	v4 =	vld [tilespmem:s29+$0x11490];
	[tilespmem:s28+$0x16390] =	vst v5;
	v6 =	vmul.f32 v6, v2;
	(pc) =	sbr.rel @p0 .LBB2_14-.Ltmp6, $4  }
0xb8: {  	v5 =	vld [tilespmem:s29+$0xED10]  }
0xb9: {  	v2 =	vld [tilespmem:s29+$0x114A0];
	v8 =	vmul.f32 v8, v3;
	[tilespmem:s28+$0x163A0] =	vst v6;
	s28 =	smov.u32 s29  }
0xba: {  	s29 =	sshra.s32 s0, $0x2;
	v6 =	vld [tilespmem:s28+$0xED20]  }
0xbb: {  	s0 =	sadd.s32 $0x100, s0;
	v3 =	vld [tilespmem:s29+$0x114B0];
	v7 =	vmul.f32 v7, v9;
	[tilespmem:s28+$0x163B0] =	vst v8  }
0xbc: {  	v8 =	vld [tilespmem:s29+$0xED30]  }
0xbd: {  	v9 =	vld [tilespmem:s29+$0x11480];
	[tilespmem:s28+$0x16380] =	vst v7;
	v4 =	vmul.f32 v5, v4  }
0xbe: {  	v62 =	vld [tilespmem:s29+$0xED00]  }
0xbf: {  	v7 =	vld [tilespmem:s29+$0x11490];
	[tilespmem:s28+$0x16390] =	vst v4;
	v2 =	vmul.f32 v6, v2  }
0xc0: {  	v4 =	vld [tilespmem:s29+$0xED10]  }
0xc1: {  	v63 =	vld [tilespmem:s29+$0x114A0];
	[tilespmem:s28+$0x163A0] =	vst v2  }
0xc2: {  	v2 =	vld [tilespmem:s29+$0xED20];
	_ =	sdelay $0x1  }
0xc3: {  	v3 =	vmul.f32 v8, v3  }
0xc4: {  	v5 =	vmul.f32 v62, v9  }
0xc5: {  	[tilespmem:s29+$0x163B0] =	vst v3;
	v3 =	vmul.f32 v4, v7  }
0xc6: {  	[tilespmem:s29+$0x16380] =	vst v5;
	v2 =	vmul.f32 v2, v63  }
0xc7: {  	[tilespmem:s29+$0x16390] =	vst v3  }
0xc8: {  	s28 =	simm.s32 $0x0;
	[tilespmem:s29+$0x163A0] =	vst v2  }
.LBB2_16:
0xc9: {  	[spmem:s9] =	stream.linear.scatter [tilespmem:s16], [sflag:$0x1], $0x2780, $0x38;
	[tilespmem:$0x19B00] =	vst v63  }
0xca: {  	_ = 	snop  }
0xcb: {  	[spmem:s8] =	stream.linear.scatter [tilespmem:s16], [sflag:$0x3], $0x2780, $0x38;
	[tilespmem:$0x19B00] =	vst v63  }
0xcc: {  	_ =	swait.ge [sflag:s20], $0x2780  }
0xcd: {  	[sflag:s20] =	ssyncset.done $0x0  }
0xce: {  	[sflag:s20] =	ssyncadd.s32 $0xFFFFD880  }
0xcf: {  	_ =	swait.ge [sflag:s19], $0x2780  }
0xd0: {  	[sflag:s19] =	ssyncset.done $0x0  }
0xd1: {  	[sflag:s19] =	ssyncadd.s32 $0xFFFFD880  }
0xd2: {  	[bflag:$0x0] =	sbarrier.arrive $0xFFFF  }
0xd3: {  	[tilespmem:s18], [sflag:$0x1] =	stream.indirect.gather [spmem:s3], $0x10, s14, s17, $0xb8;
	[tilespmem:$0x19B00] =	vst v63  }
0xd4: {  	_ =	swait.ge [sflag:s20], $0x800  }
0xd5: {  	[sflag:s20] =	ssyncset.done $0x0  }
0xd6: {  	[sflag:s20] =	ssyncadd.s32 $0xFFFFF800  }
0xd7: {  	[spmem:s2] =	stream.indirect.scatter.add.f32 [tilespmem:s18], [sflag:$0x3], $0x10, s15, s17, $0xb8;
	[tilespmem:$0x19B00] =	vst v63  }
0xd8: {  	_ = 	snop  }
0xd9: {  	[tilespmem:s22], [sflag:$0x2] =	stream.indirect.gather [spmem:s3], $0x10, s21, s17, $0xb8;
	[tilespmem:$0x19B00] =	vst v63  }
0xda: {  	_ =	swait.ge [sflag:s23], $0x800  }
0xdb: {  	[sflag:s23] =	ssyncset.done $0x0  }
0xdc: {  	s0 =	simm.s32 $0x9E80;
	[sflag:s23] =	ssyncadd.s32 $0xFFFFF800  }
0xdd: {  	[spmem:s2] =	stream.indirect.scatter.add.f32 [tilespmem:s22], [sflag:$0x4], $0x10, s0, s17, $0xb8;
	[tilespmem:$0x19B00] =	vst v63  }
0xde: {  	_ =	swait.ge [sflag:s19], $0x800  }
0xdf: {  	[sflag:s19] =	ssyncset.done $0x0  }
0xe0: {  	s30 =	simm.s32 $0x5000;
	[sflag:s19] =	ssyncadd.s32 $0xFFFFF800  }
0xe1: {  	[tilespmem:s18], [sflag:$0x1] =	stream.indirect.gather [spmem:s3], $0x10, s30, s17, $0xb8;
	[tilespmem:$0x19B00] =	vst v63  }
0xe2: {  	_ =	swait.ge [sflag:s20], $0x800  }
0xe3: {  	[sflag:s20] =	ssyncset.done $0x0  }
0xe4: {  	s31 =	simm.s32 $0x9F00;
	[sflag:s20] =	ssyncadd.s32 $0xFFFFF800  }
0xe5: {  	[spmem:s2] =	stream.indirect.scatter.add.f32 [tilespmem:s18], [sflag:$0x3], $0x10, s31, s17, $0xb8;
	[tilespmem:$0x19B00] =	vst v63  }
0xe6: {  	_ =	swait.ge [sflag:s24], $0x800  }
0xe7: {  	[sflag:s24] =	ssyncset.done $0x0  }
0xe8: {  	s1 =	simm.s32 $0x5080;
	s0 =	simm.s32 $0xFFFECC00;
	[sflag:s24] =	ssyncadd.s32 $0xFFFFF800  }
.LBB2_17:
0xe9: {  	[tilespmem:s22], [sflag:$0x2] =	stream.indirect.gather [spmem:s3], $0x10, s1, s17, $0xb8;
	[tilespmem:$0x19B00] =	vst v63  }
0xea: {  	s1 =	smov.u32 s0  }
0xeb: {  	p0 =	sne.s32 s0, $0xFFFFFC00;
	s0 =	sadd.s32 $0x400, s0;
	_ =	swait.ge [sflag:s23], $0x800  }
0xec: {  	s1 =	sshra.s32 s1, $0x2;
	[sflag:s23] =	ssyncset.done $0x0  }
0xed: {  	s29 =	sadd.s32 $0xEC80, s1;
	[sflag:s23] =	ssyncadd.s32 $0xFFFFF800  }
0xee: {  	[spmem:s2] =	stream.indirect.scatter.add.f32 [tilespmem:s22], [sflag:$0x4], $0x10, s29, s17, $0xb8;
	[tilespmem:$0x19B00] =	vst v63  }
0xef: {  	_ =	swait.ge [sflag:s19], $0x800  }
0xf0: {  	[sflag:s19] =	ssyncset.done $0x0  }
0xf1: {  	s29 =	sadd.s32 $0x9E00, s1;
	[sflag:s19] =	ssyncadd.s32 $0xFFFFF800  }
0xf2: {  	[tilespmem:s18], [sflag:$0x1] =	stream.indirect.gather [spmem:s3], $0x10, s29, s17, $0xb8;
	[tilespmem:$0x19B00] =	vst v63  }
0xf3: {  	_ =	swait.ge [sflag:s20], $0x800  }
0xf4: {  	[sflag:s20] =	ssyncset.done $0x0  }
.Ltmp7:
0xf5: {  	s29 =	sadd.s32 $0xED00, s1;
	[sflag:s20] =	ssyncadd.s32 $0xFFFFF800;
	(pc) =	sbr.rel @p0 .LBB2_17-.Ltmp7, $4  }
0xf6: {  	[spmem:s2] =	stream.indirect.scatter.add.f32 [tilespmem:s18], [sflag:$0x3], $0x10, s29, s17, $0xb8;
	[tilespmem:$0x19B00] =	vst v63  }
0xf7: {  	_ =	swait.ge [sflag:s24], $0x800  }
0xf8: {  	[sflag:s24] =	ssyncset.done $0x0  }
0xf9: {  	s1 =	sadd.s32 $0x9E80, s1;
	[sflag:s24] =	ssyncadd.s32 $0xFFFFF800  }
0xfa: {  	[tilespmem:s22], [sflag:$0x2] =	stream.indirect.gather [spmem:s3], $0x10, s1, s17, $0xb8;
	[tilespmem:$0x19B00] =	vst v63  }
0xfb: {  	_ =	swait.ge [sflag:s23], $0x800  }
0xfc: {  	[sflag:s23] =	ssyncset.done $0x0  }
0xfd: {  	[sflag:s23] =	ssyncadd.s32 $0xFFFFF800  }
0xfe: {  	[spmem:s2] =	stream.indirect.scatter.add.f32 [tilespmem:s22], [sflag:$0x4], $0x10, s25, s17, $0xb8;
	[tilespmem:$0x19B00] =	vst v63  }
0xff: {  	_ =	swait.ge [sflag:s19], $0x800  }
0x100: {  	[sflag:s19] =	ssyncset.done $0x0  }
0x101: {  	[sflag:s19] =	ssyncadd.s32 $0xFFFFF800  }
0x102: {  	_ =	swait.ge [sflag:s24], $0x800  }
0x103: {  	[sflag:s24] =	ssyncset.done $0x0  }
0x104: {  	[sflag:s24] =	ssyncadd.s32 $0xFFFFF800  }
0x105: {  	[bflag:$0x0] =	sbarrier.arrive $0xFFFF  }
0x106: {  	[tilespmem:s16], [sflag:$0x5] =	stream.linear.gather [spmem:s8], $0x2780, $0x38;
	[tilespmem:$0x19B00] =	vst v63  }
0x107: {  	_ =	swait.ge [sflag:s13], $0x2780  }
0x108: {  	[sflag:s13] =	ssyncset.done $0x0  }
0x109: {  	s1 =	simm.s32 $0x0;
	[sflag:s13] =	ssyncadd.s32 $0xFFFFD880  }
0x10a: {  	v4 =	vld [tilespmem:s1+$0x13C00]  }
0x10b: {  	v6 =	vld [tilespmem:s1+$0x13C10]  }
0x10c: {  	v7 =	vld [tilespmem:s1+$0x11480]  }
0x10d: {  	v8 =	vld [tilespmem:s1+$0x11490]  }
0x10e: {  	v11 =	vld [tilespmem:s1+$0x114A0]  }
0x10f: {  	v12 =	vld [tilespmem:s1+$0x114B0]  }
0x110: {  	v2 =	vld [tilespmem:s1+$0x16380]  }
0x111: {  	v5 =	vld [tilespmem:s1+$0x16390]  }
0x112: {  	v9 =	vld [tilespmem:s1+$0x163A0]  }
0x113: {  	v10 =	vld [tilespmem:s1+$0x163B0];
	v3 =	vmul.f32 $8.999999760e-01, v7  }
0x114: {  	v13 =	vld [tilespmem:s1+$0x13C20];
	v15 =	vmul.f32 $8.999999760e-01, v8  }
0x115: {  	s29 =	simm.s32 $0x40;
	v14 =	vld [tilespmem:s1+$0x13C30];
	v17 =	vmul.f32 $8.999999760e-01, v11;
	v16 =	vmul.f32 v2, v3  }
0x116: {  	v18 =	vmul.f32 $8.999999760e-01, v12;
	v2 =	vld [tilespmem:s29+$0x13C00];
	v15 =	vmul.f32 v5, v15  }
0x117: {  	v3 =	vld [tilespmem:s29+$0x13C10];
	v9 =	vmul.f32 v9, v17;
	v16 =	vadd.f32 v4, v16  }
0x118: {  	v5 =	vld [tilespmem:s29+$0x11480];
	v10 =	vmul.f32 v10, v18;
	v15 =	vadd.f32 v6, v15  }
0x119: {  	v4 =	vld [tilespmem:s29+$0x11490];
	v9 =	vadd.f32 v13, v9;
	[tilespmem:s1+$0xED00] =	vst v16;
	v16 =	vmul.f32 v7, v16  }
0x11a: {  	v13 =	vmul.f32 v8, v15;
	v8 =	vadd.f32 v14, v10;
	v6 =	vld [tilespmem:s29+$0x114A0];
	[tilespmem:s1+$0xED10] =	vst v15  }
0x11b: {  	v11 =	vmul.f32 v11, v9;
	v7 =	vld [tilespmem:s29+$0x114B0];
	[tilespmem:s1+$0x16380] =	vst v16  }
0x11c: {  	s0 =	simm.s32 $0x200;
	v12 =	vmul.f32 v12, v8;
	v10 =	vld [tilespmem:s29+$0x16380];
	[tilespmem:s1+$0x16390] =	vst v13  }
.LBB2_19:
0x11d: {  	p0 =	sne.s32 s0, $0x9D00;
	v13 =	vld [tilespmem:s29+$0x16390];
	[tilespmem:s1+$0x163A0] =	vst v11;
	v11 =	vmov v5  }
0x11e: {  	v5 =	vld [tilespmem:s29+$0x163A0];
	[tilespmem:s1+$0x163B0] =	vst v12;
	v12 =	vmov v4  }
0x11f: {  	v4 =	vmul.f32 $8.999999760e-01, v11;
	v14 =	vld [tilespmem:s29+$0x163B0];
	[tilespmem:s1+$0xED20] =	vst v9;
	v15 =	vmov v6  }
0x120: {  	v6 =	vmul.f32 $8.999999760e-01, v12;
	v9 =	vld [tilespmem:s29+$0x13C20];
	[tilespmem:s1+$0xED30] =	vst v8;
	v16 =	vmov v7;
	s1 =	smov.u32 s29  }
0x121: {  	s29 =	sshra.s32 s0, $0x2;
	v7 =	vmul.f32 $8.999999760e-01, v15;
	v4 =	vmul.f32 v10, v4;
	v8 =	vld [tilespmem:s1+$0x13C30]  }
0x122: {  	v10 =	vld [tilespmem:s29+$0x13C00];
	v6 =	vmul.f32 v13, v6;
	v13 =	vmul.f32 $8.999999760e-01, v16  }
0x123: {  	v17 =	vld [tilespmem:s29+$0x13C10];
	v2 =	vadd.f32 v2, v4;
	v7 =	vmul.f32 v5, v7  }
.Ltmp8:
0x124: {  	v5 =	vld [tilespmem:s29+$0x11480];
	v3 =	vadd.f32 v3, v6;
	v13 =	vmul.f32 v14, v13;
	(pc) =	sbr.rel @p0 .LBB2_19-.Ltmp8, $4  }
0x125: {  	v4 =	vld [tilespmem:s29+$0x11490];
	[tilespmem:s1+$0xED00] =	vst v2;
	v14 =	vmul.f32 v11, v2;
	v9 =	vadd.f32 v9, v7  }
0x126: {  	v6 =	vld [tilespmem:s29+$0x114A0];
	[tilespmem:s1+$0xED10] =	vst v3;
	v18 =	vmul.f32 v12, v3;
	v8 =	vadd.f32 v8, v13  }
0x127: {  	v7 =	vld [tilespmem:s29+$0x114B0];
	[tilespmem:s1+$0x16380] =	vst v14;
	v11 =	vmul.f32 v15, v9;
	v2 =	vmov v10  }
0x128: {  	s0 =	sadd.s32 $0x100, s0;
	v10 =	vld [tilespmem:s29+$0x16380];
	[tilespmem:s1+$0x16390] =	vst v18;
	v12 =	vmul.f32 v16, v8;
	v3 =	vmov v17  }
0x129: {  	v13 =	vld [tilespmem:s29+$0x16390]  }
0x12a: {  	[tilespmem:s1+$0x163A0] =	vst v11  }
0x12b: {  	v55 =	vmul.f32 $8.999999760e-01, v5;
	v11 =	vld [tilespmem:s29+$0x163A0];
	[tilespmem:s1+$0x163B0] =	vst v12  }
0x12c: {  	v15 =	vmul.f32 $8.999999760e-01, v4;
	v12 =	vld [tilespmem:s29+$0x163B0];
	[tilespmem:s1+$0xED20] =	vst v9  }
0x12d: {  	v14 =	vld [tilespmem:s29+$0x13C20];
	v56 =	vmul.f32 v10, v55  }
0x12e: {  	v57 =	vmul.f32 $8.999999760e-01, v6;
	[tilespmem:s1+$0xED30] =	vst v8;
	v13 =	vmul.f32 v13, v15  }
0x12f: {  	v58 =	vld [tilespmem:s29+$0x13C30];
	v2 =	vadd.f32 v2, v56  }
0x130: {  	v59 =	vmul.f32 $8.999999760e-01, v7;
	v60 =	vmul.f32 v11, v57;
	v3 =	vadd.f32 v3, v13  }
0x131: {  	[tilespmem:s29+$0xED00] =	vst v2;
	v2 =	vmul.f32 v5, v2  }
0x132: {  	s28 =	sadd.s32 $0x1, s28;
	v61 =	vmul.f32 v12, v59;
	v62 =	vadd.f32 v14, v60;
	[tilespmem:s29+$0xED10] =	vst v3  }
0x133: {  	p0 =	sne.s32 s28, $0x14;
	v3 =	vmul.f32 v4, v3;
	[tilespmem:s29+$0x16380] =	vst v2  }
.Ltmp9:
0x134: {  	v63 =	vadd.f32 v58, v61;
	[tilespmem:s29+$0xED20] =	vst v62;
	(pc) =	sbr.rel @p0 .LBB2_16-.Ltmp9, $4  }
0x135: {  	v2 =	vmul.f32 v6, v62;
	[tilespmem:s29+$0x16390] =	vst v3  }
0x136: {  	v3 =	vmul.f32 v7, v63;
	[tilespmem:s29+$0xED30] =	vst v63  }
0x137: {  	[tilespmem:s29+$0x163A0] =	vst v2  }
0x138: {  	[tilespmem:s29+$0x163B0] =	vst v3  }
0x139: {  	s26 =	sadd.s32 $0x1, s26  }
0x13a: {  	p0 =	sne.s32 s26, s11  }
.Ltmp10:
0x13b: {  	_ = 	snop;
	(pc) =	sbr.rel @p0 .LBB2_1-.Ltmp10, $4  }
0x13c: {  	[hbm4b:s10+s4] =	stream.linear.scatter [tilespmem:s12], [sflag:$0x5], $0x2780, $0x38;
	[tilespmem:$0x19B00] =	vst v63  }
0x13d: {  	_ =	swait.ge [sflag:s13], $0x2780  }
0x13e: {  	[sflag:s13] =	ssyncset.done $0x0  }
0x13f: {  	[sflag:s13] =	ssyncadd.s32 $0xFFFFD880  }
0x140: {  	_ =	sfence.sel $0x180000  }
0x141: {  	[bflag:$0x0] =	sbarrier.arrive $0xFFFF  }
0x142: {  	_ =	strace $0x90000047  }
0x143: {  	s0 =	stileid.u32;
	[bflag:$0x2] =	sbarrier.arrive $0xFFFF  }
0x144: {  	p0 =	sne.s32 s0, $0x0;
	s0 =	rddreg [dreg:$0x4]  }
0x145: {  	s0 =	sadd.s32 @!p0 $0x100000, s0  }
0x146: {  	[sflag:s0] =	ssyncadd.tile.s32 @!p0 $0x1;
	_ =	shalt  }
.Lfunc_end2:
_tile_overlayer_lowered:
.L_overlay_start_2:
0x147: {  	(tag) =	ssettag $0x2  }
0x148: {  	s0 =	rddreg [dreg:$0x0];
	s2 =	stileid.u32  }
0x149: {  	s1 =	rddreg [dreg:$0x1];
	p0 =	sne.s32 s2, $0x0  }
0x14a: {  	s3 =	rddreg [dreg:$0x2];
	[bflag:$0x3] =	sbarrier.arrive $0xFFFF;
	s2 =	simm.s32 @!p0 $0x1C05  }
0x14b: {  	[timem:s3], [sflag:s2] =	dma.local @!p0 [hbm:s0], s1  }
0x14c: {  	s0 =	simm.s32 @!p0 $0x5  }
0x14d: {  	_ =	swait.ge @!p0 [sflag:s0], s1  }
0x14e: {  	s1 =	ssub.s32 @!p0 $0x0, s1;
	[sflag:s0] =	ssyncset.done @!p0 $0x0  }
0x14f: {  	[sflag:s0] =	ssyncadd.s32 @!p0 s1  }
0x150: {  	[bflag:$0x3] =	sbarrier.arrive $0xFFFF  }
0x151: {  	_ =	shalt  }

</sc_bundles>
